<compile_context>
chip_gen: v7x
topology: tpu7x:2x2x1
jax: 0.10.2.dev20260603
libtpu: 0.0.44.dev20260713+nightly
codegen_flags: <defaults>
</compile_context>

<pallas_src>
import functools

import jax
import jax.numpy as jnp
from jax import lax
from jax.experimental import pallas as pl
from jax.experimental.pallas import tpu as pltpu
from jax.experimental.pallas import tpu_sc as plsc

EMBED = 32
GROUP = 128
SETB = 4
BLKW = EMBED * GROUP
SETW = SETB * BLKW


def kernel(x, table):
    NI, NJ = x.shape
    assert NI % GROUP == 0
    n_blocks = NJ * (NI // GROUP)
    ib_per_j = NI // GROUP

    info = plsc.get_sparse_core_info()
    NC, NS = info.num_cores, info.num_subcores
    NW = NC * NS
    assert n_blocks % (NW * SETB) == 0
    g_per_w = n_blocks // NW
    n_sets = g_per_w // SETB
    assert n_sets % 2 == 0
    n_pairs = n_sets // 2

    idx2d = jnp.transpose(x).reshape(n_blocks, GROUP)
    out_words = NJ * EMBED * NI

    mesh = plsc.VectorSubcoreMesh(core_axis_name="c", subcore_axis_name="s")

    @functools.partial(
        pl.kernel,
        mesh=mesh,
        compiler_params=pltpu.CompilerParams(
            use_tc_tiling_on_sc=False, needs_layout_passes=False
        ),
        out_type=jax.ShapeDtypeStruct((out_words,), jnp.float32),
        scratch_types=[
            pltpu.VMEM((g_per_w, GROUP), jnp.int32),
            pltpu.VMEM((SETB, GROUP, EMBED), jnp.float32),
            pltpu.VMEM((SETB, GROUP, EMBED), jnp.float32),
            pltpu.VMEM((SETW,), jnp.float32),
            pltpu.VMEM((SETW,), jnp.float32),
            pltpu.SemaphoreType.DMA,
            pltpu.SemaphoreType.DMA,
            pltpu.SemaphoreType.DMA,
            pltpu.SemaphoreType.DMA,
        ],
    )
    def emb(idx_hbm, table_hbm, out_hbm, idx_v, rows0, rows1, blk0, blk1,
            gsem0, gsem1, wsem0, wsem1):
        wid = lax.axis_index("s") * NC + lax.axis_index("c")
        gbase = wid * g_per_w
        pltpu.sync_copy(idx_hbm.at[pl.ds(gbase, g_per_w)], idx_v)

        lane = lax.iota(jnp.int32, 16)
        b_lo = (lane >> 3) * BLKW + (lane & 7) * GROUP

        def fire_set(s, rows_p, gsem_p):
            for b in range(SETB):
                pltpu.async_copy(
                    table_hbm.at[idx_v.at[s * SETB + b]],
                    rows_p.at[b],
                    gsem_p,
                )

        def drain_set(rows_p, gsem_p):
            for b in range(SETB):
                pltpu.make_async_copy(
                    table_hbm.at[pl.ds(0, GROUP)], rows_p.at[b], gsem_p
                ).wait()

        def do_set(it, p, rows_p, rows_q, blk_p, gsem_p, gsem_q, wsem_p):
            s = it * 2 + p
            g0 = gbase + s * SETB

            if p == 0:
                fire_set(s + 1, rows_q, gsem_q)
            else:
                @pl.when(it < n_pairs - 1)
                def _fire_next():
                    fire_set(s + 1, rows_q, gsem_q)

            drain_set(rows_p, gsem_p)

            @pl.when(it >= 1)
            def _wait_prev_writeback():
                pltpu.make_async_copy(
                    blk_p, out_hbm.at[pl.ds(0, SETW)], wsem_p
                ).wait()

            for b in range(SETB):
                def tbody(i2, carry):
                    off = b * (8 * GROUP) + i2
                    d_lo = rows_p[b, i2, pl.ds(0, 16)]
                    d_hi = rows_p[b, i2, pl.ds(16, 16)]
                    plsc.store_scatter(blk_p, [b_lo + off], d_lo)
                    plsc.store_scatter(blk_p, [b_lo + off + 2 * BLKW], d_hi)
                    return carry

                lax.fori_loop(0, GROUP, tbody, 0)

            j = g0 // ib_per_j
            ib0 = g0 % ib_per_j
            for eb in range(EMBED // 8):
                off = ((j * (EMBED // 8) + eb) * ib_per_j + ib0) * (8 * GROUP)
                pltpu.async_copy(
                    blk_p.at[pl.ds(eb * BLKW, BLKW)],
                    out_hbm.at[pl.ds(off, BLKW)],
                    wsem_p,
                )

        fire_set(0, rows0, gsem0)

        def body(it, carry):
            do_set(it, 0, rows0, rows1, blk0, gsem0, gsem1, wsem0)
            do_set(it, 1, rows1, rows0, blk1, gsem1, gsem0, wsem1)
            return carry

        lax.fori_loop(0, n_pairs, body, 0)

        pltpu.make_async_copy(blk0, out_hbm.at[pl.ds(0, SETW)], wsem0).wait()
        pltpu.make_async_copy(blk1, out_hbm.at[pl.ds(0, SETW)], wsem1).wait()

    out1d = emb(idx2d, table)
    return (
        out1d.reshape(NJ, EMBED // 8, ib_per_j, 8, GROUP)
        .transpose((2, 4, 0, 1, 3))
        .reshape(NI, NJ, EMBED)
    )

# --- scband reference (transcript-rebuilt; emitter-appended) ---
"""Pipeline reference for scband-input-25116968747580 (READ-ONLY COPY).

The authoritative reference and input builder live on the scoring server;
editing this copy changes nothing except your own understanding.
"""

import jax, jax.numpy as jnp
import numpy as np

VOCAB = 1000000
EMBED = 32
MIN_VAL = 0

def setup_inputs(seed: int = 0) -> dict:
    key = jax.random.key(seed)
    k1, k2 = jax.random.split(key)
    x = jax.random.randint(k1, (16384, 50), 0, VOCAB, dtype=jnp.int32)
    table = jax.random.normal(k2, (VOCAB, EMBED), dtype=jnp.float32) * 0.02
    return {"x": x, "table": table}

def reference(x, table):
    # Input.forward with Discrete cls: x = x.long(); embed(x - min)
    idx = x - MIN_VAL
    return jnp.take(table, idx, axis=0)

if __name__ == "__main__":
    import jax
    _d = setup_inputs()
    print(jax.jit(kernel)(*tuple(_d.values())))

</pallas_src>

<mosaic_0001>
#map = affine_map<(d0, d1) -> (0, 0)>
#map1 = affine_map<(d0, d1) -> (0)>
module attributes {stable_mosaic.version = 14 : i64} {
  func.func @emb(%arg0: i32, %arg1: i32, %arg2: memref<6400x128xi32, #tpu.memory_space<hbm>>, %arg3: memref<1000000x32xf32, #tpu.memory_space<hbm>>, %arg4: memref<26214400xf32, #tpu.memory_space<hbm>>, %arg5: memref<200x128xi32, #tpu.memory_space<vmem>>, %arg6: memref<4x128x32xf32, #tpu.memory_space<vmem>>, %arg7: memref<4x128x32xf32, #tpu.memory_space<vmem>>, %arg8: memref<16384xf32, #tpu.memory_space<vmem>>, %arg9: memref<16384xf32, #tpu.memory_space<vmem>>, %arg10: memref<!tpu.dma_semaphore, #tpu.memory_space<semaphore_mem>>, %arg11: memref<!tpu.dma_semaphore, #tpu.memory_space<semaphore_mem>>, %arg12: memref<!tpu.dma_semaphore, #tpu.memory_space<semaphore_mem>>, %arg13: memref<!tpu.dma_semaphore, #tpu.memory_space<semaphore_mem>>) attributes {dimension_semantics = [#tpu.dimension_semantics<core_parallel>, #tpu.dimension_semantics<subcore_parallel>], iteration_bounds = array<i64: 2, 16>, scalar_prefetch = 0 : i64, scratch_operands = 9 : i64, tpu.core_type = #tpu.core_type<sc_vector_subcore>, window_params = [{transform_indices = #map}, {transform_indices = #map}, {transform_indices = #map1}]} {
    %mul3A = arith.constant 2 : i32
    %mul3A_0 = arith.muli %arg1, %mul3A : i32
    %add3A = arith.addi %mul3A_0, %arg0 : i32
    %mul3A_1 = arith.constant 200 : i32
    %mul3A_2 = arith.muli %add3A, %mul3A_1 : i32
    "tpu.region"() ({
      %run_scoped3A = tpu.sem_alloc : memref<!tpu.dma_semaphore, #tpu.memory_space<semaphore_mem>>
      %dma_start3A_73 = arith.constant 0 : i32
      %dma_start3A_74 = tpu.memref_slice %arg2[%mul3A_2, %dma_start3A_73] : memref<6400x128xi32, #tpu.memory_space<hbm>> -> memref<200x128xi32, #tpu.memory_space<hbm>>
      %dma_start3A_75 = arith.constant 0 : i32
      %dma_start3A_76 = tpu.memref_slice %arg2[%mul3A_2, %dma_start3A_75] : memref<6400x128xi32, #tpu.memory_space<hbm>> -> memref<200x128xi32, #tpu.memory_space<hbm>>
      tpu.enqueue_dma source(%dma_start3A_76 : memref<200x128xi32, #tpu.memory_space<hbm>>) target(%arg5 : memref<200x128xi32, #tpu.memory_space<vmem>>) target_semaphore(%run_scoped3A : memref<!tpu.dma_semaphore, #tpu.memory_space<semaphore_mem>>)
      %dma_wait3A_77 = arith.constant 0 : i32
      %dma_wait3A_78 = tpu.memref_slice %arg2[%mul3A_2, %dma_wait3A_77] : memref<6400x128xi32, #tpu.memory_space<hbm>> -> memref<200x128xi32, #tpu.memory_space<hbm>>
      %dma_wait3A_79 = arith.constant 0 : i32
      %dma_wait3A_80 = tpu.memref_slice %arg2[%mul3A_2, %dma_wait3A_79] : memref<6400x128xi32, #tpu.memory_space<hbm>> -> memref<200x128xi32, #tpu.memory_space<hbm>>
      tpu.wait_dma2 semaphore(%run_scoped3A : memref<!tpu.dma_semaphore, #tpu.memory_space<semaphore_mem>>) src(%dma_wait3A_80 : memref<200x128xi32, #tpu.memory_space<hbm>>) dst(%arg5 : memref<200x128xi32, #tpu.memory_space<vmem>>)
      tpu.yield
    }) : () -> ()
    %iota3A = tpu.iota {dimensions = array<i32: 0>} : vector<16xi32>
    %shift_right_arithmetic3A = arith.constant 3 : i32
    %shift_right_arithmetic3A_3 = vector.broadcast %shift_right_arithmetic3A : i32 to vector<16xi32>
    %shift_right_arithmetic3A_4 = arith.shrsi %iota3A, %shift_right_arithmetic3A_3 : vector<16xi32>
    %mul3A_5 = arith.constant 4096 : i32
    %mul3A_6 = vector.broadcast %mul3A_5 : i32 to vector<16xi32>
    %mul3A_7 = arith.muli %shift_right_arithmetic3A_4, %mul3A_6 : vector<16xi32>
    %and3A = arith.constant 7 : i32
    %and3A_8 = vector.broadcast %and3A : i32 to vector<16xi32>
    %and3A_9 = arith.andi %iota3A, %and3A_8 : vector<16xi32>
    %mul3A_10 = arith.constant 128 : i32
    %mul3A_11 = vector.broadcast %mul3A_10 : i32 to vector<16xi32>
    %mul3A_12 = arith.muli %and3A_9, %mul3A_11 : vector<16xi32>
    %add3A_13 = arith.addi %mul3A_7, %mul3A_12 : vector<16xi32>
    %dma_start3A = arith.constant 0 : i32
    %dma_start3A_14 = arith.constant 0 : i32
    %dma_start3A_15 = arith.constant 0 : i32
    %dma_start3A_16 = arith.constant 0 : i32
    %dma_start3A_17 = tpu.memref_slice %arg6[%dma_start3A_14, %dma_start3A_15, %dma_start3A_16] : memref<4x128x32xf32, #tpu.memory_space<vmem>> -> memref<1x128x32xf32, #tpu.memory_space<vmem>>
    %dma_start3A_18 = tpu.memref_squeeze %dma_start3A_17 : memref<1x128x32xf32, #tpu.memory_space<vmem>> -> memref<128x32xf32, #tpu.memory_space<vmem>>
    %dma_start3A_19 = arith.constant 0 : i32
    %dma_start3A_20 = tpu.memref_slice %arg5[%dma_start3A, %dma_start3A_19] : memref<200x128xi32, #tpu.memory_space<vmem>> -> memref<1x128xi32, #tpu.memory_space<vmem>>
    %dma_start3A_21 = tpu.memref_squeeze %dma_start3A_20 : memref<1x128xi32, #tpu.memory_space<vmem>> -> memref<128xi32, #tpu.memory_space<vmem>>
    %dma_start3A_22 = arith.constant 0 : i32
    %dma_start3A_23 = arith.constant 0 : i32
    %dma_start3A_24 = tpu.memref_slice %arg3[%dma_start3A_22, %dma_start3A_23] : memref<1000000x32xf32, #tpu.memory_space<hbm>> -> memref<1000000x32xf32, #tpu.memory_space<hbm>>
    tpu.enqueue_indirect_dma source(%dma_start3A_24 : memref<1000000x32xf32, #tpu.memory_space<hbm>>) target(%dma_start3A_18 : memref<128x32xf32, #tpu.memory_space<vmem>>) offsets(%dma_start3A_21 : memref<128xi32, #tpu.memory_space<vmem>>) semaphore(%arg10 : memref<!tpu.dma_semaphore, #tpu.memory_space<semaphore_mem>>)
    %dma_start3A_25 = arith.constant 1 : i32
    %dma_start3A_26 = arith.constant 1 : i32
    %dma_start3A_27 = arith.constant 0 : i32
    %dma_start3A_28 = arith.constant 0 : i32
    %dma_start3A_29 = tpu.memref_slice %arg6[%dma_start3A_26, %dma_start3A_27, %dma_start3A_28] : memref<4x128x32xf32, #tpu.memory_space<vmem>> -> memref<1x128x32xf32, #tpu.memory_space<vmem>>
    %dma_start3A_30 = tpu.memref_squeeze %dma_start3A_29 : memref<1x128x32xf32, #tpu.memory_space<vmem>> -> memref<128x32xf32, #tpu.memory_space<vmem>>
    %dma_start3A_31 = arith.constant 0 : i32
    %dma_start3A_32 = tpu.memref_slice %arg5[%dma_start3A_25, %dma_start3A_31] : memref<200x128xi32, #tpu.memory_space<vmem>> -> memref<1x128xi32, #tpu.memory_space<vmem>>
    %dma_start3A_33 = tpu.memref_squeeze %dma_start3A_32 : memref<1x128xi32, #tpu.memory_space<vmem>> -> memref<128xi32, #tpu.memory_space<vmem>>
    %dma_start3A_34 = arith.constant 0 : i32
    %dma_start3A_35 = arith.constant 0 : i32
    %dma_start3A_36 = tpu.memref_slice %arg3[%dma_start3A_34, %dma_start3A_35] : memref<1000000x32xf32, #tpu.memory_space<hbm>> -> memref<1000000x32xf32, #tpu.memory_space<hbm>>
    tpu.enqueue_indirect_dma source(%dma_start3A_36 : memref<1000000x32xf32, #tpu.memory_space<hbm>>) target(%dma_start3A_30 : memref<128x32xf32, #tpu.memory_space<vmem>>) offsets(%dma_start3A_33 : memref<128xi32, #tpu.memory_space<vmem>>) semaphore(%arg10 : memref<!tpu.dma_semaphore, #tpu.memory_space<semaphore_mem>>)
    %dma_start3A_37 = arith.constant 2 : i32
    %dma_start3A_38 = arith.constant 2 : i32
    %dma_start3A_39 = arith.constant 0 : i32
    %dma_start3A_40 = arith.constant 0 : i32
    %dma_start3A_41 = tpu.memref_slice %arg6[%dma_start3A_38, %dma_start3A_39, %dma_start3A_40] : memref<4x128x32xf32, #tpu.memory_space<vmem>> -> memref<1x128x32xf32, #tpu.memory_space<vmem>>
    %dma_start3A_42 = tpu.memref_squeeze %dma_start3A_41 : memref<1x128x32xf32, #tpu.memory_space<vmem>> -> memref<128x32xf32, #tpu.memory_space<vmem>>
    %dma_start3A_43 = arith.constant 0 : i32
    %dma_start3A_44 = tpu.memref_slice %arg5[%dma_start3A_37, %dma_start3A_43] : memref<200x128xi32, #tpu.memory_space<vmem>> -> memref<1x128xi32, #tpu.memory_space<vmem>>
    %dma_start3A_45 = tpu.memref_squeeze %dma_start3A_44 : memref<1x128xi32, #tpu.memory_space<vmem>> -> memref<128xi32, #tpu.memory_space<vmem>>
    %dma_start3A_46 = arith.constant 0 : i32
    %dma_start3A_47 = arith.constant 0 : i32
    %dma_start3A_48 = tpu.memref_slice %arg3[%dma_start3A_46, %dma_start3A_47] : memref<1000000x32xf32, #tpu.memory_space<hbm>> -> memref<1000000x32xf32, #tpu.memory_space<hbm>>
    tpu.enqueue_indirect_dma source(%dma_start3A_48 : memref<1000000x32xf32, #tpu.memory_space<hbm>>) target(%dma_start3A_42 : memref<128x32xf32, #tpu.memory_space<vmem>>) offsets(%dma_start3A_45 : memref<128xi32, #tpu.memory_space<vmem>>) semaphore(%arg10 : memref<!tpu.dma_semaphore, #tpu.memory_space<semaphore_mem>>)
    %dma_start3A_49 = arith.constant 3 : i32
    %dma_start3A_50 = arith.constant 3 : i32
    %dma_start3A_51 = arith.constant 0 : i32
    %dma_start3A_52 = arith.constant 0 : i32
    %dma_start3A_53 = tpu.memref_slice %arg6[%dma_start3A_50, %dma_start3A_51, %dma_start3A_52] : memref<4x128x32xf32, #tpu.memory_space<vmem>> -> memref<1x128x32xf32, #tpu.memory_space<vmem>>
    %dma_start3A_54 = tpu.memref_squeeze %dma_start3A_53 : memref<1x128x32xf32, #tpu.memory_space<vmem>> -> memref<128x32xf32, #tpu.memory_space<vmem>>
    %dma_start3A_55 = arith.constant 0 : i32
    %dma_start3A_56 = tpu.memref_slice %arg5[%dma_start3A_49, %dma_start3A_55] : memref<200x128xi32, #tpu.memory_space<vmem>> -> memref<1x128xi32, #tpu.memory_space<vmem>>
    %dma_start3A_57 = tpu.memref_squeeze %dma_start3A_56 : memref<1x128xi32, #tpu.memory_space<vmem>> -> memref<128xi32, #tpu.memory_space<vmem>>
    %dma_start3A_58 = arith.constant 0 : i32
    %dma_start3A_59 = arith.constant 0 : i32
    %dma_start3A_60 = tpu.memref_slice %arg3[%dma_start3A_58, %dma_start3A_59] : memref<1000000x32xf32, #tpu.memory_space<hbm>> -> memref<1000000x32xf32, #tpu.memory_space<hbm>>
    tpu.enqueue_indirect_dma source(%dma_start3A_60 : memref<1000000x32xf32, #tpu.memory_space<hbm>>) target(%dma_start3A_54 : memref<128x32xf32, #tpu.memory_space<vmem>>) offsets(%dma_start3A_57 : memref<128xi32, #tpu.memory_space<vmem>>) semaphore(%arg10 : memref<!tpu.dma_semaphore, #tpu.memory_space<semaphore_mem>>)
    %scan3A = arith.constant 0 : i32
    %scan3A_61 = arith.constant 0 : i32
    %scan3A_62 = arith.constant 25 : i32
    %scan3A_63 = arith.addi %scan3A_61, %scan3A_62 : i32
    %scan3A_64 = arith.constant 1 : i32
    scf.for %scan3A_73 = %scan3A_61 to %scan3A_63 step %scan3A_64  : i32 {
      %mul3A_74 = arith.constant 2 : i32
      %mul3A_75 = arith.muli %scan3A_73, %mul3A_74 : i32
      %add3A_76 = arith.constant 0 : i32
      %add3A_77 = arith.addi %mul3A_75, %add3A_76 : i32
      %mul3A_78 = arith.constant 4 : i32
      %mul3A_79 = arith.muli %add3A_77, %mul3A_78 : i32
      %add3A_80 = arith.addi %mul3A_2, %mul3A_79 : i32
      %add3A_81 = arith.constant 1 : i32
      %add3A_82 = arith.addi %add3A_77, %add3A_81 : i32
      %mul3A_83 = arith.constant 4 : i32
      %mul3A_84 = arith.muli %add3A_82, %mul3A_83 : i32
      %add3A_85 = arith.constant 0 : i32
      %add3A_86 = arith.addi %mul3A_84, %add3A_85 : i32
      %dma_start3A_87 = arith.constant 0 : i32
      %dma_start3A_88 = arith.constant 0 : i32
      %dma_start3A_89 = arith.constant 0 : i32
      %dma_start3A_90 = tpu.memref_slice %arg7[%dma_start3A_87, %dma_start3A_88, %dma_start3A_89] : memref<4x128x32xf32, #tpu.memory_space<vmem>> -> memref<1x128x32xf32, #tpu.memory_space<vmem>>
      %dma_start3A_91 = tpu.memref_squeeze %dma_start3A_90 : memref<1x128x32xf32, #tpu.memory_space<vmem>> -> memref<128x32xf32, #tpu.memory_space<vmem>>
      %dma_start3A_92 = arith.constant 0 : i32
      %dma_start3A_93 = tpu.memref_slice %arg5[%add3A_86, %dma_start3A_92] : memref<200x128xi32, #tpu.memory_space<vmem>> -> memref<1x128xi32, #tpu.memory_space<vmem>>
      %dma_start3A_94 = tpu.memref_squeeze %dma_start3A_93 : memref<1x128xi32, #tpu.memory_space<vmem>> -> memref<128xi32, #tpu.memory_space<vmem>>
      %dma_start3A_95 = arith.constant 0 : i32
      %dma_start3A_96 = arith.constant 0 : i32
      %dma_start3A_97 = tpu.memref_slice %arg3[%dma_start3A_95, %dma_start3A_96] : memref<1000000x32xf32, #tpu.memory_space<hbm>> -> memref<1000000x32xf32, #tpu.memory_space<hbm>>
      tpu.enqueue_indirect_dma source(%dma_start3A_97 : memref<1000000x32xf32, #tpu.memory_space<hbm>>) target(%dma_start3A_91 : memref<128x32xf32, #tpu.memory_space<vmem>>) offsets(%dma_start3A_94 : memref<128xi32, #tpu.memory_space<vmem>>) semaphore(%arg11 : memref<!tpu.dma_semaphore, #tpu.memory_space<semaphore_mem>>)
      %mul3A_98 = arith.constant 4 : i32
      %mul3A_99 = arith.muli %add3A_82, %mul3A_98 : i32
      %add3A_100 = arith.constant 1 : i32
      %add3A_101 = arith.addi %mul3A_99, %add3A_100 : i32
      %dma_start3A_102 = arith.constant 1 : i32
      %dma_start3A_103 = arith.constant 0 : i32
      %dma_start3A_104 = arith.constant 0 : i32
      %dma_start3A_105 = tpu.memref_slice %arg7[%dma_start3A_102, %dma_start3A_103, %dma_start3A_104] : memref<4x128x32xf32, #tpu.memory_space<vmem>> -> memref<1x128x32xf32, #tpu.memory_space<vmem>>
      %dma_start3A_106 = tpu.memref_squeeze %dma_start3A_105 : memref<1x128x32xf32, #tpu.memory_space<vmem>> -> memref<128x32xf32, #tpu.memory_space<vmem>>
      %dma_start3A_107 = arith.constant 0 : i32
      %dma_start3A_108 = tpu.memref_slice %arg5[%add3A_101, %dma_start3A_107] : memref<200x128xi32, #tpu.memory_space<vmem>> -> memref<1x128xi32, #tpu.memory_space<vmem>>
      %dma_start3A_109 = tpu.memref_squeeze %dma_start3A_108 : memref<1x128xi32, #tpu.memory_space<vmem>> -> memref<128xi32, #tpu.memory_space<vmem>>
      %dma_start3A_110 = arith.constant 0 : i32
      %dma_start3A_111 = arith.constant 0 : i32
      %dma_start3A_112 = tpu.memref_slice %arg3[%dma_start3A_110, %dma_start3A_111] : memref<1000000x32xf32, #tpu.memory_space<hbm>> -> memref<1000000x32xf32, #tpu.memory_space<hbm>>
      tpu.enqueue_indirect_dma source(%dma_start3A_112 : memref<1000000x32xf32, #tpu.memory_space<hbm>>) target(%dma_start3A_106 : memref<128x32xf32, #tpu.memory_space<vmem>>) offsets(%dma_start3A_109 : memref<128xi32, #tpu.memory_space<vmem>>) semaphore(%arg11 : memref<!tpu.dma_semaphore, #tpu.memory_space<semaphore_mem>>)
      %mul3A_113 = arith.constant 4 : i32
      %mul3A_114 = arith.muli %add3A_82, %mul3A_113 : i32
      %add3A_115 = arith.constant 2 : i32
      %add3A_116 = arith.addi %mul3A_114, %add3A_115 : i32
      %dma_start3A_117 = arith.constant 2 : i32
      %dma_start3A_118 = arith.constant 0 : i32
      %dma_start3A_119 = arith.constant 0 : i32
      %dma_start3A_120 = tpu.memref_slice %arg7[%dma_start3A_117, %dma_start3A_118, %dma_start3A_119] : memref<4x128x32xf32, #tpu.memory_space<vmem>> -> memref<1x128x32xf32, #tpu.memory_space<vmem>>
      %dma_start3A_121 = tpu.memref_squeeze %dma_start3A_120 : memref<1x128x32xf32, #tpu.memory_space<vmem>> -> memref<128x32xf32, #tpu.memory_space<vmem>>
      %dma_start3A_122 = arith.constant 0 : i32
      %dma_start3A_123 = tpu.memref_slice %arg5[%add3A_116, %dma_start3A_122] : memref<200x128xi32, #tpu.memory_space<vmem>> -> memref<1x128xi32, #tpu.memory_space<vmem>>
      %dma_start3A_124 = tpu.memref_squeeze %dma_start3A_123 : memref<1x128xi32, #tpu.memory_space<vmem>> -> memref<128xi32, #tpu.memory_space<vmem>>
      %dma_start3A_125 = arith.constant 0 : i32
      %dma_start3A_126 = arith.constant 0 : i32
      %dma_start3A_127 = tpu.memref_slice %arg3[%dma_start3A_125, %dma_start3A_126] : memref<1000000x32xf32, #tpu.memory_space<hbm>> -> memref<1000000x32xf32, #tpu.memory_space<hbm>>
      tpu.enqueue_indirect_dma source(%dma_start3A_127 : memref<1000000x32xf32, #tpu.memory_space<hbm>>) target(%dma_start3A_121 : memref<128x32xf32, #tpu.memory_space<vmem>>) offsets(%dma_start3A_124 : memref<128xi32, #tpu.memory_space<vmem>>) semaphore(%arg11 : memref<!tpu.dma_semaphore, #tpu.memory_space<semaphore_mem>>)
      %mul3A_128 = arith.constant 4 : i32
      %mul3A_129 = arith.muli %add3A_82, %mul3A_128 : i32
      %add3A_130 = arith.constant 3 : i32
      %add3A_131 = arith.addi %mul3A_129, %add3A_130 : i32
      %dma_start3A_132 = arith.constant 3 : i32
      %dma_start3A_133 = arith.constant 0 : i32
      %dma_start3A_134 = arith.constant 0 : i32
      %dma_start3A_135 = tpu.memref_slice %arg7[%dma_start3A_132, %dma_start3A_133, %dma_start3A_134] : memref<4x128x32xf32, #tpu.memory_space<vmem>> -> memref<1x128x32xf32, #tpu.memory_space<vmem>>
      %dma_start3A_136 = tpu.memref_squeeze %dma_start3A_135 : memref<1x128x32xf32, #tpu.memory_space<vmem>> -> memref<128x32xf32, #tpu.memory_space<vmem>>
      %dma_start3A_137 = arith.constant 0 : i32
      %dma_start3A_138 = tpu.memref_slice %arg5[%add3A_131, %dma_start3A_137] : memref<200x128xi32, #tpu.memory_space<vmem>> -> memref<1x128xi32, #tpu.memory_space<vmem>>
      %dma_start3A_139 = tpu.memref_squeeze %dma_start3A_138 : memref<1x128xi32, #tpu.memory_space<vmem>> -> memref<128xi32, #tpu.memory_space<vmem>>
      %dma_start3A_140 = arith.constant 0 : i32
      %dma_start3A_141 = arith.constant 0 : i32
      %dma_start3A_142 = tpu.memref_slice %arg3[%dma_start3A_140, %dma_start3A_141] : memref<1000000x32xf32, #tpu.memory_space<hbm>> -> memref<1000000x32xf32, #tpu.memory_space<hbm>>
      tpu.enqueue_indirect_dma source(%dma_start3A_142 : memref<1000000x32xf32, #tpu.memory_space<hbm>>) target(%dma_start3A_136 : memref<128x32xf32, #tpu.memory_space<vmem>>) offsets(%dma_start3A_139 : memref<128xi32, #tpu.memory_space<vmem>>) semaphore(%arg11 : memref<!tpu.dma_semaphore, #tpu.memory_space<semaphore_mem>>)
      %dma_wait3A_143 = arith.constant 0 : i32
      %dma_wait3A_144 = arith.constant 0 : i32
      %dma_wait3A_145 = arith.constant 0 : i32
      %dma_wait3A_146 = tpu.memref_slice %arg6[%dma_wait3A_143, %dma_wait3A_144, %dma_wait3A_145] : memref<4x128x32xf32, #tpu.memory_space<vmem>> -> memref<1x128x32xf32, #tpu.memory_space<vmem>>
      %dma_wait3A_147 = tpu.memref_squeeze %dma_wait3A_146 : memref<1x128x32xf32, #tpu.memory_space<vmem>> -> memref<128x32xf32, #tpu.memory_space<vmem>>
      %dma_wait3A_148 = arith.constant 0 : i32
      %dma_wait3A_149 = arith.constant 0 : i32
      %dma_wait3A_150 = tpu.memref_slice %arg3[%dma_wait3A_148, %dma_wait3A_149] : memref<1000000x32xf32, #tpu.memory_space<hbm>> -> memref<128x32xf32, #tpu.memory_space<hbm>>
      %dma_wait3A_151 = arith.constant 0 : i32
      %dma_wait3A_152 = arith.constant 0 : i32
      %dma_wait3A_153 = tpu.memref_slice %arg6[%dma_wait3A_143, %dma_wait3A_151, %dma_wait3A_152] : memref<4x128x32xf32, #tpu.memory_space<vmem>> -> memref<1x128x32xf32, #tpu.memory_space<vmem>>
      %dma_wait3A_154 = tpu.memref_squeeze %dma_wait3A_153 : memref<1x128x32xf32, #tpu.memory_space<vmem>> -> memref<128x32xf32, #tpu.memory_space<vmem>>
      %dma_wait3A_155 = arith.constant 0 : i32
      %dma_wait3A_156 = arith.constant 0 : i32
      %dma_wait3A_157 = tpu.memref_slice %arg3[%dma_wait3A_155, %dma_wait3A_156] : memref<1000000x32xf32, #tpu.memory_space<hbm>> -> memref<128x32xf32, #tpu.memory_space<hbm>>
      tpu.wait_dma2 semaphore(%arg10 : memref<!tpu.dma_semaphore, #tpu.memory_space<semaphore_mem>>) src(%dma_wait3A_157 : memref<128x32xf32, #tpu.memory_space<hbm>>) dst(%dma_wait3A_154 : memref<128x32xf32, #tpu.memory_space<vmem>>)
      %dma_wait3A_158 = arith.constant 1 : i32
      %dma_wait3A_159 = arith.constant 0 : i32
      %dma_wait3A_160 = arith.constant 0 : i32
      %dma_wait3A_161 = tpu.memref_slice %arg6[%dma_wait3A_158, %dma_wait3A_159, %dma_wait3A_160] : memref<4x128x32xf32, #tpu.memory_space<vmem>> -> memref<1x128x32xf32, #tpu.memory_space<vmem>>
      %dma_wait3A_162 = tpu.memref_squeeze %dma_wait3A_161 : memref<1x128x32xf32, #tpu.memory_space<vmem>> -> memref<128x32xf32, #tpu.memory_space<vmem>>
      %dma_wait3A_163 = arith.constant 0 : i32
      %dma_wait3A_164 = arith.constant 0 : i32
      %dma_wait3A_165 = tpu.memref_slice %arg3[%dma_wait3A_163, %dma_wait3A_164] : memref<1000000x32xf32, #tpu.memory_space<hbm>> -> memref<128x32xf32, #tpu.memory_space<hbm>>
      %dma_wait3A_166 = arith.constant 0 : i32
      %dma_wait3A_167 = arith.constant 0 : i32
      %dma_wait3A_168 = tpu.memref_slice %arg6[%dma_wait3A_158, %dma_wait3A_166, %dma_wait3A_167] : memref<4x128x32xf32, #tpu.memory_space<vmem>> -> memref<1x128x32xf32, #tpu.memory_space<vmem>>
      %dma_wait3A_169 = tpu.memref_squeeze %dma_wait3A_168 : memref<1x128x32xf32, #tpu.memory_space<vmem>> -> memref<128x32xf32, #tpu.memory_space<vmem>>
      %dma_wait3A_170 = arith.constant 0 : i32
      %dma_wait3A_171 = arith.constant 0 : i32
      %dma_wait3A_172 = tpu.memref_slice %arg3[%dma_wait3A_170, %dma_wait3A_171] : memref<1000000x32xf32, #tpu.memory_space<hbm>> -> memref<128x32xf32, #tpu.memory_space<hbm>>
      tpu.wait_dma2 semaphore(%arg10 : memref<!tpu.dma_semaphore, #tpu.memory_space<semaphore_mem>>) src(%dma_wait3A_172 : memref<128x32xf32, #tpu.memory_space<hbm>>) dst(%dma_wait3A_169 : memref<128x32xf32, #tpu.memory_space<vmem>>)
      %dma_wait3A_173 = arith.constant 2 : i32
      %dma_wait3A_174 = arith.constant 0 : i32
      %dma_wait3A_175 = arith.constant 0 : i32
      %dma_wait3A_176 = tpu.memref_slice %arg6[%dma_wait3A_173, %dma_wait3A_174, %dma_wait3A_175] : memref<4x128x32xf32, #tpu.memory_space<vmem>> -> memref<1x128x32xf32, #tpu.memory_space<vmem>>
      %dma_wait3A_177 = tpu.memref_squeeze %dma_wait3A_176 : memref<1x128x32xf32, #tpu.memory_space<vmem>> -> memref<128x32xf32, #tpu.memory_space<vmem>>
      %dma_wait3A_178 = arith.constant 0 : i32
      %dma_wait3A_179 = arith.constant 0 : i32
      %dma_wait3A_180 = tpu.memref_slice %arg3[%dma_wait3A_178, %dma_wait3A_179] : memref<1000000x32xf32, #tpu.memory_space<hbm>> -> memref<128x32xf32, #tpu.memory_space<hbm>>
      %dma_wait3A_181 = arith.constant 0 : i32
      %dma_wait3A_182 = arith.constant 0 : i32
      %dma_wait3A_183 = tpu.memref_slice %arg6[%dma_wait3A_173, %dma_wait3A_181, %dma_wait3A_182] : memref<4x128x32xf32, #tpu.memory_space<vmem>> -> memref<1x128x32xf32, #tpu.memory_space<vmem>>
      %dma_wait3A_184 = tpu.memref_squeeze %dma_wait3A_183 : memref<1x128x32xf32, #tpu.memory_space<vmem>> -> memref<128x32xf32, #tpu.memory_space<vmem>>
      %dma_wait3A_185 = arith.constant 0 : i32
      %dma_wait3A_186 = arith.constant 0 : i32
      %dma_wait3A_187 = tpu.memref_slice %arg3[%dma_wait3A_185, %dma_wait3A_186] : memref<1000000x32xf32, #tpu.memory_space<hbm>> -> memref<128x32xf32, #tpu.memory_space<hbm>>
      tpu.wait_dma2 semaphore(%arg10 : memref<!tpu.dma_semaphore, #tpu.memory_space<semaphore_mem>>) src(%dma_wait3A_187 : memref<128x32xf32, #tpu.memory_space<hbm>>) dst(%dma_wait3A_184 : memref<128x32xf32, #tpu.memory_space<vmem>>)
      %dma_wait3A_188 = arith.constant 3 : i32
      %dma_wait3A_189 = arith.constant 0 : i32
      %dma_wait3A_190 = arith.constant 0 : i32
      %dma_wait3A_191 = tpu.memref_slice %arg6[%dma_wait3A_188, %dma_wait3A_189, %dma_wait3A_190] : memref<4x128x32xf32, #tpu.memory_space<vmem>> -> memref<1x128x32xf32, #tpu.memory_space<vmem>>
      %dma_wait3A_192 = tpu.memref_squeeze %dma_wait3A_191 : memref<1x128x32xf32, #tpu.memory_space<vmem>> -> memref<128x32xf32, #tpu.memory_space<vmem>>
      %dma_wait3A_193 = arith.constant 0 : i32
      %dma_wait3A_194 = arith.constant 0 : i32
      %dma_wait3A_195 = tpu.memref_slice %arg3[%dma_wait3A_193, %dma_wait3A_194] : memref<1000000x32xf32, #tpu.memory_space<hbm>> -> memref<128x32xf32, #tpu.memory_space<hbm>>
      %dma_wait3A_196 = arith.constant 0 : i32
      %dma_wait3A_197 = arith.constant 0 : i32
      %dma_wait3A_198 = tpu.memref_slice %arg6[%dma_wait3A_188, %dma_wait3A_196, %dma_wait3A_197] : memref<4x128x32xf32, #tpu.memory_space<vmem>> -> memref<1x128x32xf32, #tpu.memory_space<vmem>>
      %dma_wait3A_199 = tpu.memref_squeeze %dma_wait3A_198 : memref<1x128x32xf32, #tpu.memory_space<vmem>> -> memref<128x32xf32, #tpu.memory_space<vmem>>
      %dma_wait3A_200 = arith.constant 0 : i32
      %dma_wait3A_201 = arith.constant 0 : i32
      %dma_wait3A_202 = tpu.memref_slice %arg3[%dma_wait3A_200, %dma_wait3A_201] : memref<1000000x32xf32, #tpu.memory_space<hbm>> -> memref<128x32xf32, #tpu.memory_space<hbm>>
      tpu.wait_dma2 semaphore(%arg10 : memref<!tpu.dma_semaphore, #tpu.memory_space<semaphore_mem>>) src(%dma_wait3A_202 : memref<128x32xf32, #tpu.memory_space<hbm>>) dst(%dma_wait3A_199 : memref<128x32xf32, #tpu.memory_space<vmem>>)
      %ge3A = arith.constant 1 : i32
      %ge3A_203 = arith.cmpi sge, %scan3A_73, %ge3A : i32
      %convert_element_type3A = arith.extui %ge3A_203 : i1 to i32
      %cond3A = arith.constant 0 : i32
      %cond3A_204 = arith.cmpi ne, %convert_element_type3A, %cond3A : i32
      scf.if %cond3A_204 {
        %dma_wait3A_521 = arith.constant 0 : i32
        %dma_wait3A_522 = tpu.memref_slice %arg4[%dma_wait3A_521] : memref<26214400xf32, #tpu.memory_space<hbm>> -> memref<16384xf32, #tpu.memory_space<hbm>>
        %dma_wait3A_523 = arith.constant 0 : i32
        %dma_wait3A_524 = tpu.memref_slice %arg4[%dma_wait3A_523] : memref<26214400xf32, #tpu.memory_space<hbm>> -> memref<16384xf32, #tpu.memory_space<hbm>>
        tpu.wait_dma2 semaphore(%arg12 : memref<!tpu.dma_semaphore, #tpu.memory_space<semaphore_mem>>) src(%arg8 : memref<16384xf32, #tpu.memory_space<vmem>>) dst(%dma_wait3A_524 : memref<16384xf32, #tpu.memory_space<hbm>>)
      } else {
      }
      %scan3A_205 = arith.constant 0 : i32
      %scan3A_206 = arith.constant 0 : i32
      %scan3A_207 = arith.constant 128 : i32
      %scan3A_208 = arith.addi %scan3A_206, %scan3A_207 : i32
      %scan3A_209 = arith.constant 1 : i32
      scf.for %scan3A_521 = %scan3A_206 to %scan3A_208 step %scan3A_209  : i32 {
        %add3A_522 = arith.constant 0 : i32
        %add3A_523 = arith.addi %add3A_522, %scan3A_521 : i32
        %get3A = arith.constant 0 : i32
        %get3A_524 = arith.index_cast %get3A : i32 to index
        %get3A_525 = arith.index_cast %scan3A_521 : i32 to index
        %get3A_526 = arith.constant 0 : index
        %get3A_527 = tpu.vector_load %arg6[%get3A_524, %get3A_525, %get3A_526] {strides = array<i32>} : memref<4x128x32xf32, #tpu.memory_space<vmem>>, vector<16xf32>,
        %get3A_528 = arith.constant 0 : i32
        %get3A_529 = arith.index_cast %get3A_528 : i32 to index
        %get3A_530 = arith.index_cast %scan3A_521 : i32 to index
        %get3A_531 = arith.constant 16 : index
        %get3A_532 = tpu.vector_load %arg6[%get3A_529, %get3A_530, %get3A_531] {strides = array<i32>} : memref<4x128x32xf32, #tpu.memory_space<vmem>>, vector<16xf32>,
        %add3A_533 = vector.broadcast %add3A_523 : i32 to vector<16xi32>
        %add3A_534 = arith.addi %add3A_13, %add3A_533 : vector<16xi32>
        tpu.vector_store_idx %arg8[%add3A_534], %get3A_527 : memref<16384xf32, #tpu.memory_space<vmem>>[vector<16xi32>], vector<16xf32>,
        %add3A_535 = vector.broadcast %add3A_523 : i32 to vector<16xi32>
        %add3A_536 = arith.addi %add3A_13, %add3A_535 : vector<16xi32>
        %add3A_537 = arith.constant 8192 : i32
        %add3A_538 = vector.broadcast %add3A_537 : i32 to vector<16xi32>
        %add3A_539 = arith.addi %add3A_536, %add3A_538 : vector<16xi32>
        tpu.vector_store_idx %arg8[%add3A_539], %get3A_532 : memref<16384xf32, #tpu.memory_space<vmem>>[vector<16xi32>], vector<16xf32>,
      }
      %scan3A_210 = arith.constant 128 : i32
      %scan3A_211 = arith.constant 0 : i32
      %scan3A_212 = arith.constant 0 : i32
      %scan3A_213 = arith.constant 128 : i32
      %scan3A_214 = arith.addi %scan3A_212, %scan3A_213 : i32
      %scan3A_215 = arith.constant 1 : i32
      scf.for %scan3A_521 = %scan3A_212 to %scan3A_214 step %scan3A_215  : i32 {
        %add3A_522 = arith.constant 1024 : i32
        %add3A_523 = arith.addi %add3A_522, %scan3A_521 : i32
        %get3A = arith.constant 1 : i32
        %get3A_524 = arith.index_cast %get3A : i32 to index
        %get3A_525 = arith.index_cast %scan3A_521 : i32 to index
        %get3A_526 = arith.constant 0 : index
        %get3A_527 = tpu.vector_load %arg6[%get3A_524, %get3A_525, %get3A_526] {strides = array<i32>} : memref<4x128x32xf32, #tpu.memory_space<vmem>>, vector<16xf32>,
        %get3A_528 = arith.constant 1 : i32
        %get3A_529 = arith.index_cast %get3A_528 : i32 to index
        %get3A_530 = arith.index_cast %scan3A_521 : i32 to index
        %get3A_531 = arith.constant 16 : index
        %get3A_532 = tpu.vector_load %arg6[%get3A_529, %get3A_530, %get3A_531] {strides = array<i32>} : memref<4x128x32xf32, #tpu.memory_space<vmem>>, vector<16xf32>,
        %add3A_533 = vector.broadcast %add3A_523 : i32 to vector<16xi32>
        %add3A_534 = arith.addi %add3A_13, %add3A_533 : vector<16xi32>
        tpu.vector_store_idx %arg8[%add3A_534], %get3A_527 : memref<16384xf32, #tpu.memory_space<vmem>>[vector<16xi32>], vector<16xf32>,
        %add3A_535 = vector.broadcast %add3A_523 : i32 to vector<16xi32>
        %add3A_536 = arith.addi %add3A_13, %add3A_535 : vector<16xi32>
        %add3A_537 = arith.constant 8192 : i32
        %add3A_538 = vector.broadcast %add3A_537 : i32 to vector<16xi32>
        %add3A_539 = arith.addi %add3A_536, %add3A_538 : vector<16xi32>
        tpu.vector_store_idx %arg8[%add3A_539], %get3A_532 : memref<16384xf32, #tpu.memory_space<vmem>>[vector<16xi32>], vector<16xf32>,
      }
      %scan3A_216 = arith.constant 128 : i32
      %scan3A_217 = arith.constant 0 : i32
      %scan3A_218 = arith.constant 0 : i32
      %scan3A_219 = arith.constant 128 : i32
      %scan3A_220 = arith.addi %scan3A_218, %scan3A_219 : i32
      %scan3A_221 = arith.constant 1 : i32
      scf.for %scan3A_521 = %scan3A_218 to %scan3A_220 step %scan3A_221  : i32 {
        %add3A_522 = arith.constant 2048 : i32
        %add3A_523 = arith.addi %add3A_522, %scan3A_521 : i32
        %get3A = arith.constant 2 : i32
        %get3A_524 = arith.index_cast %get3A : i32 to index
        %get3A_525 = arith.index_cast %scan3A_521 : i32 to index
        %get3A_526 = arith.constant 0 : index
        %get3A_527 = tpu.vector_load %arg6[%get3A_524, %get3A_525, %get3A_526] {strides = array<i32>} : memref<4x128x32xf32, #tpu.memory_space<vmem>>, vector<16xf32>,
        %get3A_528 = arith.constant 2 : i32
        %get3A_529 = arith.index_cast %get3A_528 : i32 to index
        %get3A_530 = arith.index_cast %scan3A_521 : i32 to index
        %get3A_531 = arith.constant 16 : index
        %get3A_532 = tpu.vector_load %arg6[%get3A_529, %get3A_530, %get3A_531] {strides = array<i32>} : memref<4x128x32xf32, #tpu.memory_space<vmem>>, vector<16xf32>,
        %add3A_533 = vector.broadcast %add3A_523 : i32 to vector<16xi32>
        %add3A_534 = arith.addi %add3A_13, %add3A_533 : vector<16xi32>
        tpu.vector_store_idx %arg8[%add3A_534], %get3A_527 : memref<16384xf32, #tpu.memory_space<vmem>>[vector<16xi32>], vector<16xf32>,
        %add3A_535 = vector.broadcast %add3A_523 : i32 to vector<16xi32>
        %add3A_536 = arith.addi %add3A_13, %add3A_535 : vector<16xi32>
        %add3A_537 = arith.constant 8192 : i32
        %add3A_538 = vector.broadcast %add3A_537 : i32 to vector<16xi32>
        %add3A_539 = arith.addi %add3A_536, %add3A_538 : vector<16xi32>
        tpu.vector_store_idx %arg8[%add3A_539], %get3A_532 : memref<16384xf32, #tpu.memory_space<vmem>>[vector<16xi32>], vector<16xf32>,
      }
      %scan3A_222 = arith.constant 128 : i32
      %scan3A_223 = arith.constant 0 : i32
      %scan3A_224 = arith.constant 0 : i32
      %scan3A_225 = arith.constant 128 : i32
      %scan3A_226 = arith.addi %scan3A_224, %scan3A_225 : i32
      %scan3A_227 = arith.constant 1 : i32
      scf.for %scan3A_521 = %scan3A_224 to %scan3A_226 step %scan3A_227  : i32 {
        %add3A_522 = arith.constant 3072 : i32
        %add3A_523 = arith.addi %add3A_522, %scan3A_521 : i32
        %get3A = arith.constant 3 : i32
        %get3A_524 = arith.index_cast %get3A : i32 to index
        %get3A_525 = arith.index_cast %scan3A_521 : i32 to index
        %get3A_526 = arith.constant 0 : index
        %get3A_527 = tpu.vector_load %arg6[%get3A_524, %get3A_525, %get3A_526] {strides = array<i32>} : memref<4x128x32xf32, #tpu.memory_space<vmem>>, vector<16xf32>,
        %get3A_528 = arith.constant 3 : i32
        %get3A_529 = arith.index_cast %get3A_528 : i32 to index
        %get3A_530 = arith.index_cast %scan3A_521 : i32 to index
        %get3A_531 = arith.constant 16 : index
        %get3A_532 = tpu.vector_load %arg6[%get3A_529, %get3A_530, %get3A_531] {strides = array<i32>} : memref<4x128x32xf32, #tpu.memory_space<vmem>>, vector<16xf32>,
        %add3A_533 = vector.broadcast %add3A_523 : i32 to vector<16xi32>
        %add3A_534 = arith.addi %add3A_13, %add3A_533 : vector<16xi32>
        tpu.vector_store_idx %arg8[%add3A_534], %get3A_527 : memref<16384xf32, #tpu.memory_space<vmem>>[vector<16xi32>], vector<16xf32>,
        %add3A_535 = vector.broadcast %add3A_523 : i32 to vector<16xi32>
        %add3A_536 = arith.addi %add3A_13, %add3A_535 : vector<16xi32>
        %add3A_537 = arith.constant 8192 : i32
        %add3A_538 = vector.broadcast %add3A_537 : i32 to vector<16xi32>
        %add3A_539 = arith.addi %add3A_536, %add3A_538 : vector<16xi32>
        tpu.vector_store_idx %arg8[%add3A_539], %get3A_532 : memref<16384xf32, #tpu.memory_space<vmem>>[vector<16xi32>], vector<16xf32>,
      }
      %scan3A_228 = arith.constant 128 : i32
      %jit3A = arith.constant 128 : i32
      %div3A = arith.divsi %add3A_80, %jit3A : i32
      %sign3A = arith.constant 0 : i32
      %sign3A_229 = arith.cmpi sgt, %add3A_80, %sign3A : i32
      %sign3A_230 = arith.extui %sign3A_229 : i1 to i32
      %sign3A_231 = arith.constant 0 : i32
      %sign3A_232 = arith.cmpi slt, %add3A_80, %sign3A_231 : i32
      %sign3A_233 = arith.extui %sign3A_232 : i1 to i32
      %sign3A_234 = arith.subi %sign3A_230, %sign3A_233 : i32
      %sign3A_235 = arith.constant 0 : i32
      %sign3A_236 = arith.cmpi sgt, %jit3A, %sign3A_235 : i32
      %sign3A_237 = arith.extui %sign3A_236 : i1 to i32
      %sign3A_238 = arith.constant 0 : i32
      %sign3A_239 = arith.cmpi slt, %jit3A, %sign3A_238 : i32
      %sign3A_240 = arith.extui %sign3A_239 : i1 to i32
      %sign3A_241 = arith.subi %sign3A_237, %sign3A_240 : i32
      %ne3A = arith.cmpi ne, %sign3A_234, %sign3A_241 : i32
      %rem3A = arith.remsi %add3A_80, %jit3A : i32
      %ne3A_242 = arith.constant 0 : i32
      %ne3A_243 = arith.cmpi ne, %rem3A, %ne3A_242 : i32
      %and3A_244 = arith.andi %ne3A, %ne3A_243 : i1
      %sub3A = arith.constant 1 : i32
      %sub3A_245 = arith.subi %div3A, %sub3A : i32
      %select_n3A = arith.select %and3A_244, %sub3A_245, %div3A : i32
      %jit3A_246 = arith.constant 128 : i32
      %eq3A = arith.constant 0 : i32
      %eq3A_247 = arith.cmpi eq, %jit3A_246, %eq3A : i32
      %jit3A_248 = arith.constant 1 : i32
      %select_n3A_249 = arith.select %eq3A_247, %jit3A_248, %jit3A_246 : i32
      %rem3A_250 = arith.remsi %add3A_80, %select_n3A_249 : i32
      %ne3A_251 = arith.constant 0 : i32
      %ne3A_252 = arith.cmpi ne, %rem3A_250, %ne3A_251 : i32
      %lt3A = arith.constant 0 : i32
      %lt3A_253 = arith.cmpi slt, %rem3A_250, %lt3A : i32
      %lt3A_254 = arith.constant 0 : i32
      %lt3A_255 = arith.cmpi slt, %select_n3A_249, %lt3A_254 : i32
      %ne3A_256 = arith.xori %lt3A_253, %lt3A_255 : i1
      %and3A_257 = arith.andi %ne3A_256, %ne3A_252 : i1
      %add3A_258 = arith.addi %rem3A_250, %select_n3A_249 : i32
      %select_n3A_259 = arith.select %and3A_257, %add3A_258, %rem3A_250 : i32
      %mul3A_260 = arith.constant 4 : i32
      %mul3A_261 = arith.muli %select_n3A, %mul3A_260 : i32
      %add3A_262 = arith.constant 0 : i32
      %add3A_263 = arith.addi %mul3A_261, %add3A_262 : i32
      %mul3A_264 = arith.constant 128 : i32
      %mul3A_265 = arith.muli %add3A_263, %mul3A_264 : i32
      %add3A_266 = arith.addi %mul3A_265, %select_n3A_259 : i32
      %mul3A_267 = arith.constant 1024 : i32
      %mul3A_268 = arith.muli %add3A_266, %mul3A_267 : i32
      %dma_start3A_269 = arith.constant 0 : i32
      %dma_start3A_270 = tpu.memref_slice %arg8[%dma_start3A_269] : memref<16384xf32, #tpu.memory_space<vmem>> -> memref<4096xf32, #tpu.memory_space<vmem>>
      %dma_start3A_271 = tpu.memref_slice %arg4[%mul3A_268] : memref<26214400xf32, #tpu.memory_space<hbm>> -> memref<4096xf32, #tpu.memory_space<hbm>>
      %dma_start3A_272 = tpu.memref_slice %arg4[%mul3A_268] : memref<26214400xf32, #tpu.memory_space<hbm>> -> memref<4096xf32, #tpu.memory_space<hbm>>
      %dma_start3A_273 = arith.constant 0 : i32
      %dma_start3A_274 = tpu.memref_slice %arg8[%dma_start3A_273] : memref<16384xf32, #tpu.memory_space<vmem>> -> memref<4096xf32, #tpu.memory_space<vmem>>
      tpu.enqueue_dma source(%dma_start3A_274 : memref<4096xf32, #tpu.memory_space<vmem>>) target(%dma_start3A_272 : memref<4096xf32, #tpu.memory_space<hbm>>) target_semaphore(%arg12 : memref<!tpu.dma_semaphore, #tpu.memory_space<semaphore_mem>>)
      %mul3A_275 = arith.constant 4 : i32
      %mul3A_276 = arith.muli %select_n3A, %mul3A_275 : i32
      %add3A_277 = arith.constant 1 : i32
      %add3A_278 = arith.addi %mul3A_276, %add3A_277 : i32
      %mul3A_279 = arith.constant 128 : i32
      %mul3A_280 = arith.muli %add3A_278, %mul3A_279 : i32
      %add3A_281 = arith.addi %mul3A_280, %select_n3A_259 : i32
      %mul3A_282 = arith.constant 1024 : i32
      %mul3A_283 = arith.muli %add3A_281, %mul3A_282 : i32
      %dma_start3A_284 = arith.constant 4096 : i32
      %dma_start3A_285 = tpu.memref_slice %arg8[%dma_start3A_284] : memref<16384xf32, #tpu.memory_space<vmem>> -> memref<4096xf32, #tpu.memory_space<vmem>>
      %dma_start3A_286 = tpu.memref_slice %arg4[%mul3A_283] : memref<26214400xf32, #tpu.memory_space<hbm>> -> memref<4096xf32, #tpu.memory_space<hbm>>
      %dma_start3A_287 = tpu.memref_slice %arg4[%mul3A_283] : memref<26214400xf32, #tpu.memory_space<hbm>> -> memref<4096xf32, #tpu.memory_space<hbm>>
      %dma_start3A_288 = arith.constant 4096 : i32
      %dma_start3A_289 = tpu.memref_slice %arg8[%dma_start3A_288] : memref<16384xf32, #tpu.memory_space<vmem>> -> memref<4096xf32, #tpu.memory_space<vmem>>
      tpu.enqueue_dma source(%dma_start3A_289 : memref<4096xf32, #tpu.memory_space<vmem>>) target(%dma_start3A_287 : memref<4096xf32, #tpu.memory_space<hbm>>) target_semaphore(%arg12 : memref<!tpu.dma_semaphore, #tpu.memory_space<semaphore_mem>>)
      %mul3A_290 = arith.constant 4 : i32
      %mul3A_291 = arith.muli %select_n3A, %mul3A_290 : i32
      %add3A_292 = arith.constant 2 : i32
      %add3A_293 = arith.addi %mul3A_291, %add3A_292 : i32
      %mul3A_294 = arith.constant 128 : i32
      %mul3A_295 = arith.muli %add3A_293, %mul3A_294 : i32
      %add3A_296 = arith.addi %mul3A_295, %select_n3A_259 : i32
      %mul3A_297 = arith.constant 1024 : i32
      %mul3A_298 = arith.muli %add3A_296, %mul3A_297 : i32
      %dma_start3A_299 = arith.constant 8192 : i32
      %dma_start3A_300 = tpu.memref_slice %arg8[%dma_start3A_299] : memref<16384xf32, #tpu.memory_space<vmem>> -> memref<4096xf32, #tpu.memory_space<vmem>>
      %dma_start3A_301 = tpu.memref_slice %arg4[%mul3A_298] : memref<26214400xf32, #tpu.memory_space<hbm>> -> memref<4096xf32, #tpu.memory_space<hbm>>
      %dma_start3A_302 = tpu.memref_slice %arg4[%mul3A_298] : memref<26214400xf32, #tpu.memory_space<hbm>> -> memref<4096xf32, #tpu.memory_space<hbm>>
      %dma_start3A_303 = arith.constant 8192 : i32
      %dma_start3A_304 = tpu.memref_slice %arg8[%dma_start3A_303] : memref<16384xf32, #tpu.memory_space<vmem>> -> memref<4096xf32, #tpu.memory_space<vmem>>
      tpu.enqueue_dma source(%dma_start3A_304 : memref<4096xf32, #tpu.memory_space<vmem>>) target(%dma_start3A_302 : memref<4096xf32, #tpu.memory_space<hbm>>) target_semaphore(%arg12 : memref<!tpu.dma_semaphore, #tpu.memory_space<semaphore_mem>>)
      %mul3A_305 = arith.constant 4 : i32
      %mul3A_306 = arith.muli %select_n3A, %mul3A_305 : i32
      %add3A_307 = arith.constant 3 : i32
      %add3A_308 = arith.addi %mul3A_306, %add3A_307 : i32
      %mul3A_309 = arith.constant 128 : i32
      %mul3A_310 = arith.muli %add3A_308, %mul3A_309 : i32
      %add3A_311 = arith.addi %mul3A_310, %select_n3A_259 : i32
      %mul3A_312 = arith.constant 1024 : i32
      %mul3A_313 = arith.muli %add3A_311, %mul3A_312 : i32
      %dma_start3A_314 = arith.constant 12288 : i32
      %dma_start3A_315 = tpu.memref_slice %arg8[%dma_start3A_314] : memref<16384xf32, #tpu.memory_space<vmem>> -> memref<4096xf32, #tpu.memory_space<vmem>>
      %dma_start3A_316 = tpu.memref_slice %arg4[%mul3A_313] : memref<26214400xf32, #tpu.memory_space<hbm>> -> memref<4096xf32, #tpu.memory_space<hbm>>
      %dma_start3A_317 = tpu.memref_slice %arg4[%mul3A_313] : memref<26214400xf32, #tpu.memory_space<hbm>> -> memref<4096xf32, #tpu.memory_space<hbm>>
      %dma_start3A_318 = arith.constant 12288 : i32
      %dma_start3A_319 = tpu.memref_slice %arg8[%dma_start3A_318] : memref<16384xf32, #tpu.memory_space<vmem>> -> memref<4096xf32, #tpu.memory_space<vmem>>
      tpu.enqueue_dma source(%dma_start3A_319 : memref<4096xf32, #tpu.memory_space<vmem>>) target(%dma_start3A_317 : memref<4096xf32, #tpu.memory_space<hbm>>) target_semaphore(%arg12 : memref<!tpu.dma_semaphore, #tpu.memory_space<semaphore_mem>>)
      %mul3A_320 = arith.constant 2 : i32
      %mul3A_321 = arith.muli %scan3A_73, %mul3A_320 : i32
      %add3A_322 = arith.constant 1 : i32
      %add3A_323 = arith.addi %mul3A_321, %add3A_322 : i32
      %mul3A_324 = arith.constant 4 : i32
      %mul3A_325 = arith.muli %add3A_323, %mul3A_324 : i32
      %add3A_326 = arith.addi %mul3A_2, %mul3A_325 : i32
      %lt3A_327 = arith.constant 24 : i32
      %lt3A_328 = arith.cmpi slt, %scan3A_73, %lt3A_327 : i32
      %convert_element_type3A_329 = arith.extui %lt3A_328 : i1 to i32
      %cond3A_330 = arith.constant 0 : i32
      %cond3A_331 = arith.cmpi ne, %convert_element_type3A_329, %cond3A_330 : i32
      scf.if %cond3A_331 {
        %add3A_521 = arith.constant 1 : i32
        %add3A_522 = arith.addi %add3A_323, %add3A_521 : i32
        %mul3A_523 = arith.constant 4 : i32
        %mul3A_524 = arith.muli %add3A_522, %mul3A_523 : i32
        %add3A_525 = arith.constant 0 : i32
        %add3A_526 = arith.addi %mul3A_524, %add3A_525 : i32
        %dma_start3A_527 = arith.constant 0 : i32
        %dma_start3A_528 = arith.constant 0 : i32
        %dma_start3A_529 = arith.constant 0 : i32
        %dma_start3A_530 = tpu.memref_slice %arg6[%dma_start3A_527, %dma_start3A_528, %dma_start3A_529] : memref<4x128x32xf32, #tpu.memory_space<vmem>> -> memref<1x128x32xf32, #tpu.memory_space<vmem>>
        %dma_start3A_531 = tpu.memref_squeeze %dma_start3A_530 : memref<1x128x32xf32, #tpu.memory_space<vmem>> -> memref<128x32xf32, #tpu.memory_space<vmem>>
        %dma_start3A_532 = arith.constant 0 : i32
        %dma_start3A_533 = tpu.memref_slice %arg5[%add3A_526, %dma_start3A_532] : memref<200x128xi32, #tpu.memory_space<vmem>> -> memref<1x128xi32, #tpu.memory_space<vmem>>
        %dma_start3A_534 = tpu.memref_squeeze %dma_start3A_533 : memref<1x128xi32, #tpu.memory_space<vmem>> -> memref<128xi32, #tpu.memory_space<vmem>>
        %dma_start3A_535 = arith.constant 0 : i32
        %dma_start3A_536 = arith.constant 0 : i32
        %dma_start3A_537 = tpu.memref_slice %arg3[%dma_start3A_535, %dma_start3A_536] : memref<1000000x32xf32, #tpu.memory_space<hbm>> -> memref<1000000x32xf32, #tpu.memory_space<hbm>>
        tpu.enqueue_indirect_dma source(%dma_start3A_537 : memref<1000000x32xf32, #tpu.memory_space<hbm>>) target(%dma_start3A_531 : memref<128x32xf32, #tpu.memory_space<vmem>>) offsets(%dma_start3A_534 : memref<128xi32, #tpu.memory_space<vmem>>) semaphore(%arg10 : memref<!tpu.dma_semaphore, #tpu.memory_space<semaphore_mem>>)
        %mul3A_538 = arith.constant 4 : i32
        %mul3A_539 = arith.muli %add3A_522, %mul3A_538 : i32
        %add3A_540 = arith.constant 1 : i32
        %add3A_541 = arith.addi %mul3A_539, %add3A_540 : i32
        %dma_start3A_542 = arith.constant 1 : i32
        %dma_start3A_543 = arith.constant 0 : i32
        %dma_start3A_544 = arith.constant 0 : i32
        %dma_start3A_545 = tpu.memref_slice %arg6[%dma_start3A_542, %dma_start3A_543, %dma_start3A_544] : memref<4x128x32xf32, #tpu.memory_space<vmem>> -> memref<1x128x32xf32, #tpu.memory_space<vmem>>
        %dma_start3A_546 = tpu.memref_squeeze %dma_start3A_545 : memref<1x128x32xf32, #tpu.memory_space<vmem>> -> memref<128x32xf32, #tpu.memory_space<vmem>>
        %dma_start3A_547 = arith.constant 0 : i32
        %dma_start3A_548 = tpu.memref_slice %arg5[%add3A_541, %dma_start3A_547] : memref<200x128xi32, #tpu.memory_space<vmem>> -> memref<1x128xi32, #tpu.memory_space<vmem>>
        %dma_start3A_549 = tpu.memref_squeeze %dma_start3A_548 : memref<1x128xi32, #tpu.memory_space<vmem>> -> memref<128xi32, #tpu.memory_space<vmem>>
        %dma_start3A_550 = arith.constant 0 : i32
        %dma_start3A_551 = arith.constant 0 : i32
        %dma_start3A_552 = tpu.memref_slice %arg3[%dma_start3A_550, %dma_start3A_551] : memref<1000000x32xf32, #tpu.memory_space<hbm>> -> memref<1000000x32xf32, #tpu.memory_space<hbm>>
        tpu.enqueue_indirect_dma source(%dma_start3A_552 : memref<1000000x32xf32, #tpu.memory_space<hbm>>) target(%dma_start3A_546 : memref<128x32xf32, #tpu.memory_space<vmem>>) offsets(%dma_start3A_549 : memref<128xi32, #tpu.memory_space<vmem>>) semaphore(%arg10 : memref<!tpu.dma_semaphore, #tpu.memory_space<semaphore_mem>>)
        %mul3A_553 = arith.constant 4 : i32
        %mul3A_554 = arith.muli %add3A_522, %mul3A_553 : i32
        %add3A_555 = arith.constant 2 : i32
        %add3A_556 = arith.addi %mul3A_554, %add3A_555 : i32
        %dma_start3A_557 = arith.constant 2 : i32
        %dma_start3A_558 = arith.constant 0 : i32
        %dma_start3A_559 = arith.constant 0 : i32
        %dma_start3A_560 = tpu.memref_slice %arg6[%dma_start3A_557, %dma_start3A_558, %dma_start3A_559] : memref<4x128x32xf32, #tpu.memory_space<vmem>> -> memref<1x128x32xf32, #tpu.memory_space<vmem>>
        %dma_start3A_561 = tpu.memref_squeeze %dma_start3A_560 : memref<1x128x32xf32, #tpu.memory_space<vmem>> -> memref<128x32xf32, #tpu.memory_space<vmem>>
        %dma_start3A_562 = arith.constant 0 : i32
        %dma_start3A_563 = tpu.memref_slice %arg5[%add3A_556, %dma_start3A_562] : memref<200x128xi32, #tpu.memory_space<vmem>> -> memref<1x128xi32, #tpu.memory_space<vmem>>
        %dma_start3A_564 = tpu.memref_squeeze %dma_start3A_563 : memref<1x128xi32, #tpu.memory_space<vmem>> -> memref<128xi32, #tpu.memory_space<vmem>>
        %dma_start3A_565 = arith.constant 0 : i32
        %dma_start3A_566 = arith.constant 0 : i32
        %dma_start3A_567 = tpu.memref_slice %arg3[%dma_start3A_565, %dma_start3A_566] : memref<1000000x32xf32, #tpu.memory_space<hbm>> -> memref<1000000x32xf32, #tpu.memory_space<hbm>>
        tpu.enqueue_indirect_dma source(%dma_start3A_567 : memref<1000000x32xf32, #tpu.memory_space<hbm>>) target(%dma_start3A_561 : memref<128x32xf32, #tpu.memory_space<vmem>>) offsets(%dma_start3A_564 : memref<128xi32, #tpu.memory_space<vmem>>) semaphore(%arg10 : memref<!tpu.dma_semaphore, #tpu.memory_space<semaphore_mem>>)
        %mul3A_568 = arith.constant 4 : i32
        %mul3A_569 = arith.muli %add3A_522, %mul3A_568 : i32
        %add3A_570 = arith.constant 3 : i32
        %add3A_571 = arith.addi %mul3A_569, %add3A_570 : i32
        %dma_start3A_572 = arith.constant 3 : i32
        %dma_start3A_573 = arith.constant 0 : i32
        %dma_start3A_574 = arith.constant 0 : i32
        %dma_start3A_575 = tpu.memref_slice %arg6[%dma_start3A_572, %dma_start3A_573, %dma_start3A_574] : memref<4x128x32xf32, #tpu.memory_space<vmem>> -> memref<1x128x32xf32, #tpu.memory_space<vmem>>
        %dma_start3A_576 = tpu.memref_squeeze %dma_start3A_575 : memref<1x128x32xf32, #tpu.memory_space<vmem>> -> memref<128x32xf32, #tpu.memory_space<vmem>>
        %dma_start3A_577 = arith.constant 0 : i32
        %dma_start3A_578 = tpu.memref_slice %arg5[%add3A_571, %dma_start3A_577] : memref<200x128xi32, #tpu.memory_space<vmem>> -> memref<1x128xi32, #tpu.memory_space<vmem>>
        %dma_start3A_579 = tpu.memref_squeeze %dma_start3A_578 : memref<1x128xi32, #tpu.memory_space<vmem>> -> memref<128xi32, #tpu.memory_space<vmem>>
        %dma_start3A_580 = arith.constant 0 : i32
        %dma_start3A_581 = arith.constant 0 : i32
        %dma_start3A_582 = tpu.memref_slice %arg3[%dma_start3A_580, %dma_start3A_581] : memref<1000000x32xf32, #tpu.memory_space<hbm>> -> memref<1000000x32xf32, #tpu.memory_space<hbm>>
        tpu.enqueue_indirect_dma source(%dma_start3A_582 : memref<1000000x32xf32, #tpu.memory_space<hbm>>) target(%dma_start3A_576 : memref<128x32xf32, #tpu.memory_space<vmem>>) offsets(%dma_start3A_579 : memref<128xi32, #tpu.memory_space<vmem>>) semaphore(%arg10 : memref<!tpu.dma_semaphore, #tpu.memory_space<semaphore_mem>>)
      } else {
      }
      %dma_wait3A_332 = arith.constant 0 : i32
      %dma_wait3A_333 = arith.constant 0 : i32
      %dma_wait3A_334 = arith.constant 0 : i32
      %dma_wait3A_335 = tpu.memref_slice %arg7[%dma_wait3A_332, %dma_wait3A_333, %dma_wait3A_334] : memref<4x128x32xf32, #tpu.memory_space<vmem>> -> memref<1x128x32xf32, #tpu.memory_space<vmem>>
      %dma_wait3A_336 = tpu.memref_squeeze %dma_wait3A_335 : memref<1x128x32xf32, #tpu.memory_space<vmem>> -> memref<128x32xf32, #tpu.memory_space<vmem>>
      %dma_wait3A_337 = arith.constant 0 : i32
      %dma_wait3A_338 = arith.constant 0 : i32
      %dma_wait3A_339 = tpu.memref_slice %arg3[%dma_wait3A_337, %dma_wait3A_338] : memref<1000000x32xf32, #tpu.memory_space<hbm>> -> memref<128x32xf32, #tpu.memory_space<hbm>>
      %dma_wait3A_340 = arith.constant 0 : i32
      %dma_wait3A_341 = arith.constant 0 : i32
      %dma_wait3A_342 = tpu.memref_slice %arg7[%dma_wait3A_332, %dma_wait3A_340, %dma_wait3A_341] : memref<4x128x32xf32, #tpu.memory_space<vmem>> -> memref<1x128x32xf32, #tpu.memory_space<vmem>>
      %dma_wait3A_343 = tpu.memref_squeeze %dma_wait3A_342 : memref<1x128x32xf32, #tpu.memory_space<vmem>> -> memref<128x32xf32, #tpu.memory_space<vmem>>
      %dma_wait3A_344 = arith.constant 0 : i32
      %dma_wait3A_345 = arith.constant 0 : i32
      %dma_wait3A_346 = tpu.memref_slice %arg3[%dma_wait3A_344, %dma_wait3A_345] : memref<1000000x32xf32, #tpu.memory_space<hbm>> -> memref<128x32xf32, #tpu.memory_space<hbm>>
      tpu.wait_dma2 semaphore(%arg11 : memref<!tpu.dma_semaphore, #tpu.memory_space<semaphore_mem>>) src(%dma_wait3A_346 : memref<128x32xf32, #tpu.memory_space<hbm>>) dst(%dma_wait3A_343 : memref<128x32xf32, #tpu.memory_space<vmem>>)
      %dma_wait3A_347 = arith.constant 1 : i32
      %dma_wait3A_348 = arith.constant 0 : i32
      %dma_wait3A_349 = arith.constant 0 : i32
      %dma_wait3A_350 = tpu.memref_slice %arg7[%dma_wait3A_347, %dma_wait3A_348, %dma_wait3A_349] : memref<4x128x32xf32, #tpu.memory_space<vmem>> -> memref<1x128x32xf32, #tpu.memory_space<vmem>>
      %dma_wait3A_351 = tpu.memref_squeeze %dma_wait3A_350 : memref<1x128x32xf32, #tpu.memory_space<vmem>> -> memref<128x32xf32, #tpu.memory_space<vmem>>
      %dma_wait3A_352 = arith.constant 0 : i32
      %dma_wait3A_353 = arith.constant 0 : i32
      %dma_wait3A_354 = tpu.memref_slice %arg3[%dma_wait3A_352, %dma_wait3A_353] : memref<1000000x32xf32, #tpu.memory_space<hbm>> -> memref<128x32xf32, #tpu.memory_space<hbm>>
      %dma_wait3A_355 = arith.constant 0 : i32
      %dma_wait3A_356 = arith.constant 0 : i32
      %dma_wait3A_357 = tpu.memref_slice %arg7[%dma_wait3A_347, %dma_wait3A_355, %dma_wait3A_356] : memref<4x128x32xf32, #tpu.memory_space<vmem>> -> memref<1x128x32xf32, #tpu.memory_space<vmem>>
      %dma_wait3A_358 = tpu.memref_squeeze %dma_wait3A_357 : memref<1x128x32xf32, #tpu.memory_space<vmem>> -> memref<128x32xf32, #tpu.memory_space<vmem>>
      %dma_wait3A_359 = arith.constant 0 : i32
      %dma_wait3A_360 = arith.constant 0 : i32
      %dma_wait3A_361 = tpu.memref_slice %arg3[%dma_wait3A_359, %dma_wait3A_360] : memref<1000000x32xf32, #tpu.memory_space<hbm>> -> memref<128x32xf32, #tpu.memory_space<hbm>>
      tpu.wait_dma2 semaphore(%arg11 : memref<!tpu.dma_semaphore, #tpu.memory_space<semaphore_mem>>) src(%dma_wait3A_361 : memref<128x32xf32, #tpu.memory_space<hbm>>) dst(%dma_wait3A_358 : memref<128x32xf32, #tpu.memory_space<vmem>>)
      %dma_wait3A_362 = arith.constant 2 : i32
      %dma_wait3A_363 = arith.constant 0 : i32
      %dma_wait3A_364 = arith.constant 0 : i32
      %dma_wait3A_365 = tpu.memref_slice %arg7[%dma_wait3A_362, %dma_wait3A_363, %dma_wait3A_364] : memref<4x128x32xf32, #tpu.memory_space<vmem>> -> memref<1x128x32xf32, #tpu.memory_space<vmem>>
      %dma_wait3A_366 = tpu.memref_squeeze %dma_wait3A_365 : memref<1x128x32xf32, #tpu.memory_space<vmem>> -> memref<128x32xf32, #tpu.memory_space<vmem>>
      %dma_wait3A_367 = arith.constant 0 : i32
      %dma_wait3A_368 = arith.constant 0 : i32
      %dma_wait3A_369 = tpu.memref_slice %arg3[%dma_wait3A_367, %dma_wait3A_368] : memref<1000000x32xf32, #tpu.memory_space<hbm>> -> memref<128x32xf32, #tpu.memory_space<hbm>>
      %dma_wait3A_370 = arith.constant 0 : i32
      %dma_wait3A_371 = arith.constant 0 : i32
      %dma_wait3A_372 = tpu.memref_slice %arg7[%dma_wait3A_362, %dma_wait3A_370, %dma_wait3A_371] : memref<4x128x32xf32, #tpu.memory_space<vmem>> -> memref<1x128x32xf32, #tpu.memory_space<vmem>>
      %dma_wait3A_373 = tpu.memref_squeeze %dma_wait3A_372 : memref<1x128x32xf32, #tpu.memory_space<vmem>> -> memref<128x32xf32, #tpu.memory_space<vmem>>
      %dma_wait3A_374 = arith.constant 0 : i32
      %dma_wait3A_375 = arith.constant 0 : i32
      %dma_wait3A_376 = tpu.memref_slice %arg3[%dma_wait3A_374, %dma_wait3A_375] : memref<1000000x32xf32, #tpu.memory_space<hbm>> -> memref<128x32xf32, #tpu.memory_space<hbm>>
      tpu.wait_dma2 semaphore(%arg11 : memref<!tpu.dma_semaphore, #tpu.memory_space<semaphore_mem>>) src(%dma_wait3A_376 : memref<128x32xf32, #tpu.memory_space<hbm>>) dst(%dma_wait3A_373 : memref<128x32xf32, #tpu.memory_space<vmem>>)
      %dma_wait3A_377 = arith.constant 3 : i32
      %dma_wait3A_378 = arith.constant 0 : i32
      %dma_wait3A_379 = arith.constant 0 : i32
      %dma_wait3A_380 = tpu.memref_slice %arg7[%dma_wait3A_377, %dma_wait3A_378, %dma_wait3A_379] : memref<4x128x32xf32, #tpu.memory_space<vmem>> -> memref<1x128x32xf32, #tpu.memory_space<vmem>>
      %dma_wait3A_381 = tpu.memref_squeeze %dma_wait3A_380 : memref<1x128x32xf32, #tpu.memory_space<vmem>> -> memref<128x32xf32, #tpu.memory_space<vmem>>
      %dma_wait3A_382 = arith.constant 0 : i32
      %dma_wait3A_383 = arith.constant 0 : i32
      %dma_wait3A_384 = tpu.memref_slice %arg3[%dma_wait3A_382, %dma_wait3A_383] : memref<1000000x32xf32, #tpu.memory_space<hbm>> -> memref<128x32xf32, #tpu.memory_space<hbm>>
      %dma_wait3A_385 = arith.constant 0 : i32
      %dma_wait3A_386 = arith.constant 0 : i32
      %dma_wait3A_387 = tpu.memref_slice %arg7[%dma_wait3A_377, %dma_wait3A_385, %dma_wait3A_386] : memref<4x128x32xf32, #tpu.memory_space<vmem>> -> memref<1x128x32xf32, #tpu.memory_space<vmem>>
      %dma_wait3A_388 = tpu.memref_squeeze %dma_wait3A_387 : memref<1x128x32xf32, #tpu.memory_space<vmem>> -> memref<128x32xf32, #tpu.memory_space<vmem>>
      %dma_wait3A_389 = arith.constant 0 : i32
      %dma_wait3A_390 = arith.constant 0 : i32
      %dma_wait3A_391 = tpu.memref_slice %arg3[%dma_wait3A_389, %dma_wait3A_390] : memref<1000000x32xf32, #tpu.memory_space<hbm>> -> memref<128x32xf32, #tpu.memory_space<hbm>>
      tpu.wait_dma2 semaphore(%arg11 : memref<!tpu.dma_semaphore, #tpu.memory_space<semaphore_mem>>) src(%dma_wait3A_391 : memref<128x32xf32, #tpu.memory_space<hbm>>) dst(%dma_wait3A_388 : memref<128x32xf32, #tpu.memory_space<vmem>>)
      %ge3A_392 = arith.constant 1 : i32
      %ge3A_393 = arith.cmpi sge, %scan3A_73, %ge3A_392 : i32
      %convert_element_type3A_394 = arith.extui %ge3A_393 : i1 to i32
      %cond3A_395 = arith.constant 0 : i32
      %cond3A_396 = arith.cmpi ne, %convert_element_type3A_394, %cond3A_395 : i32
      scf.if %cond3A_396 {
        %dma_wait3A_521 = arith.constant 0 : i32
        %dma_wait3A_522 = tpu.memref_slice %arg4[%dma_wait3A_521] : memref<26214400xf32, #tpu.memory_space<hbm>> -> memref<16384xf32, #tpu.memory_space<hbm>>
        %dma_wait3A_523 = arith.constant 0 : i32
        %dma_wait3A_524 = tpu.memref_slice %arg4[%dma_wait3A_523] : memref<26214400xf32, #tpu.memory_space<hbm>> -> memref<16384xf32, #tpu.memory_space<hbm>>
        tpu.wait_dma2 semaphore(%arg13 : memref<!tpu.dma_semaphore, #tpu.memory_space<semaphore_mem>>) src(%arg9 : memref<16384xf32, #tpu.memory_space<vmem>>) dst(%dma_wait3A_524 : memref<16384xf32, #tpu.memory_space<hbm>>)
      } else {
      }
      %scan3A_397 = arith.constant 0 : i32
      %scan3A_398 = arith.constant 0 : i32
      %scan3A_399 = arith.constant 128 : i32
      %scan3A_400 = arith.addi %scan3A_398, %scan3A_399 : i32
      %scan3A_401 = arith.constant 1 : i32
      scf.for %scan3A_521 = %scan3A_398 to %scan3A_400 step %scan3A_401  : i32 {
        %add3A_522 = arith.constant 0 : i32
        %add3A_523 = arith.addi %add3A_522, %scan3A_521 : i32
        %get3A = arith.constant 0 : i32
        %get3A_524 = arith.index_cast %get3A : i32 to index
        %get3A_525 = arith.index_cast %scan3A_521 : i32 to index
        %get3A_526 = arith.constant 0 : index
        %get3A_527 = tpu.vector_load %arg7[%get3A_524, %get3A_525, %get3A_526] {strides = array<i32>} : memref<4x128x32xf32, #tpu.memory_space<vmem>>, vector<16xf32>,
        %get3A_528 = arith.constant 0 : i32
        %get3A_529 = arith.index_cast %get3A_528 : i32 to index
        %get3A_530 = arith.index_cast %scan3A_521 : i32 to index
        %get3A_531 = arith.constant 16 : index
        %get3A_532 = tpu.vector_load %arg7[%get3A_529, %get3A_530, %get3A_531] {strides = array<i32>} : memref<4x128x32xf32, #tpu.memory_space<vmem>>, vector<16xf32>,
        %add3A_533 = vector.broadcast %add3A_523 : i32 to vector<16xi32>
        %add3A_534 = arith.addi %add3A_13, %add3A_533 : vector<16xi32>
        tpu.vector_store_idx %arg9[%add3A_534], %get3A_527 : memref<16384xf32, #tpu.memory_space<vmem>>[vector<16xi32>], vector<16xf32>,
        %add3A_535 = vector.broadcast %add3A_523 : i32 to vector<16xi32>
        %add3A_536 = arith.addi %add3A_13, %add3A_535 : vector<16xi32>
        %add3A_537 = arith.constant 8192 : i32
        %add3A_538 = vector.broadcast %add3A_537 : i32 to vector<16xi32>
        %add3A_539 = arith.addi %add3A_536, %add3A_538 : vector<16xi32>
        tpu.vector_store_idx %arg9[%add3A_539], %get3A_532 : memref<16384xf32, #tpu.memory_space<vmem>>[vector<16xi32>], vector<16xf32>,
      }
      %scan3A_402 = arith.constant 128 : i32
      %scan3A_403 = arith.constant 0 : i32
      %scan3A_404 = arith.constant 0 : i32
      %scan3A_405 = arith.constant 128 : i32
      %scan3A_406 = arith.addi %scan3A_404, %scan3A_405 : i32
      %scan3A_407 = arith.constant 1 : i32
      scf.for %scan3A_521 = %scan3A_404 to %scan3A_406 step %scan3A_407  : i32 {
        %add3A_522 = arith.constant 1024 : i32
        %add3A_523 = arith.addi %add3A_522, %scan3A_521 : i32
        %get3A = arith.constant 1 : i32
        %get3A_524 = arith.index_cast %get3A : i32 to index
        %get3A_525 = arith.index_cast %scan3A_521 : i32 to index
        %get3A_526 = arith.constant 0 : index
        %get3A_527 = tpu.vector_load %arg7[%get3A_524, %get3A_525, %get3A_526] {strides = array<i32>} : memref<4x128x32xf32, #tpu.memory_space<vmem>>, vector<16xf32>,
        %get3A_528 = arith.constant 1 : i32
        %get3A_529 = arith.index_cast %get3A_528 : i32 to index
        %get3A_530 = arith.index_cast %scan3A_521 : i32 to index
        %get3A_531 = arith.constant 16 : index
        %get3A_532 = tpu.vector_load %arg7[%get3A_529, %get3A_530, %get3A_531] {strides = array<i32>} : memref<4x128x32xf32, #tpu.memory_space<vmem>>, vector<16xf32>,
        %add3A_533 = vector.broadcast %add3A_523 : i32 to vector<16xi32>
        %add3A_534 = arith.addi %add3A_13, %add3A_533 : vector<16xi32>
        tpu.vector_store_idx %arg9[%add3A_534], %get3A_527 : memref<16384xf32, #tpu.memory_space<vmem>>[vector<16xi32>], vector<16xf32>,
        %add3A_535 = vector.broadcast %add3A_523 : i32 to vector<16xi32>
        %add3A_536 = arith.addi %add3A_13, %add3A_535 : vector<16xi32>
        %add3A_537 = arith.constant 8192 : i32
        %add3A_538 = vector.broadcast %add3A_537 : i32 to vector<16xi32>
        %add3A_539 = arith.addi %add3A_536, %add3A_538 : vector<16xi32>
        tpu.vector_store_idx %arg9[%add3A_539], %get3A_532 : memref<16384xf32, #tpu.memory_space<vmem>>[vector<16xi32>], vector<16xf32>,
      }
      %scan3A_408 = arith.constant 128 : i32
      %scan3A_409 = arith.constant 0 : i32
      %scan3A_410 = arith.constant 0 : i32
      %scan3A_411 = arith.constant 128 : i32
      %scan3A_412 = arith.addi %scan3A_410, %scan3A_411 : i32
      %scan3A_413 = arith.constant 1 : i32
      scf.for %scan3A_521 = %scan3A_410 to %scan3A_412 step %scan3A_413  : i32 {
        %add3A_522 = arith.constant 2048 : i32
        %add3A_523 = arith.addi %add3A_522, %scan3A_521 : i32
        %get3A = arith.constant 2 : i32
        %get3A_524 = arith.index_cast %get3A : i32 to index
        %get3A_525 = arith.index_cast %scan3A_521 : i32 to index
        %get3A_526 = arith.constant 0 : index
        %get3A_527 = tpu.vector_load %arg7[%get3A_524, %get3A_525, %get3A_526] {strides = array<i32>} : memref<4x128x32xf32, #tpu.memory_space<vmem>>, vector<16xf32>,
        %get3A_528 = arith.constant 2 : i32
        %get3A_529 = arith.index_cast %get3A_528 : i32 to index
        %get3A_530 = arith.index_cast %scan3A_521 : i32 to index
        %get3A_531 = arith.constant 16 : index
        %get3A_532 = tpu.vector_load %arg7[%get3A_529, %get3A_530, %get3A_531] {strides = array<i32>} : memref<4x128x32xf32, #tpu.memory_space<vmem>>, vector<16xf32>,
        %add3A_533 = vector.broadcast %add3A_523 : i32 to vector<16xi32>
        %add3A_534 = arith.addi %add3A_13, %add3A_533 : vector<16xi32>
        tpu.vector_store_idx %arg9[%add3A_534], %get3A_527 : memref<16384xf32, #tpu.memory_space<vmem>>[vector<16xi32>], vector<16xf32>,
        %add3A_535 = vector.broadcast %add3A_523 : i32 to vector<16xi32>
        %add3A_536 = arith.addi %add3A_13, %add3A_535 : vector<16xi32>
        %add3A_537 = arith.constant 8192 : i32
        %add3A_538 = vector.broadcast %add3A_537 : i32 to vector<16xi32>
        %add3A_539 = arith.addi %add3A_536, %add3A_538 : vector<16xi32>
        tpu.vector_store_idx %arg9[%add3A_539], %get3A_532 : memref<16384xf32, #tpu.memory_space<vmem>>[vector<16xi32>], vector<16xf32>,
      }
      %scan3A_414 = arith.constant 128 : i32
      %scan3A_415 = arith.constant 0 : i32
      %scan3A_416 = arith.constant 0 : i32
      %scan3A_417 = arith.constant 128 : i32
      %scan3A_418 = arith.addi %scan3A_416, %scan3A_417 : i32
      %scan3A_419 = arith.constant 1 : i32
      scf.for %scan3A_521 = %scan3A_416 to %scan3A_418 step %scan3A_419  : i32 {
        %add3A_522 = arith.constant 3072 : i32
        %add3A_523 = arith.addi %add3A_522, %scan3A_521 : i32
        %get3A = arith.constant 3 : i32
        %get3A_524 = arith.index_cast %get3A : i32 to index
        %get3A_525 = arith.index_cast %scan3A_521 : i32 to index
        %get3A_526 = arith.constant 0 : index
        %get3A_527 = tpu.vector_load %arg7[%get3A_524, %get3A_525, %get3A_526] {strides = array<i32>} : memref<4x128x32xf32, #tpu.memory_space<vmem>>, vector<16xf32>,
        %get3A_528 = arith.constant 3 : i32
        %get3A_529 = arith.index_cast %get3A_528 : i32 to index
        %get3A_530 = arith.index_cast %scan3A_521 : i32 to index
        %get3A_531 = arith.constant 16 : index
        %get3A_532 = tpu.vector_load %arg7[%get3A_529, %get3A_530, %get3A_531] {strides = array<i32>} : memref<4x128x32xf32, #tpu.memory_space<vmem>>, vector<16xf32>,
        %add3A_533 = vector.broadcast %add3A_523 : i32 to vector<16xi32>
        %add3A_534 = arith.addi %add3A_13, %add3A_533 : vector<16xi32>
        tpu.vector_store_idx %arg9[%add3A_534], %get3A_527 : memref<16384xf32, #tpu.memory_space<vmem>>[vector<16xi32>], vector<16xf32>,
        %add3A_535 = vector.broadcast %add3A_523 : i32 to vector<16xi32>
        %add3A_536 = arith.addi %add3A_13, %add3A_535 : vector<16xi32>
        %add3A_537 = arith.constant 8192 : i32
        %add3A_538 = vector.broadcast %add3A_537 : i32 to vector<16xi32>
        %add3A_539 = arith.addi %add3A_536, %add3A_538 : vector<16xi32>
        tpu.vector_store_idx %arg9[%add3A_539], %get3A_532 : memref<16384xf32, #tpu.memory_space<vmem>>[vector<16xi32>], vector<16xf32>,
      }
      %scan3A_420 = arith.constant 128 : i32
      %jit3A_421 = arith.constant 128 : i32
      %div3A_422 = arith.divsi %add3A_326, %jit3A_421 : i32
      %sign3A_423 = arith.constant 0 : i32
      %sign3A_424 = arith.cmpi sgt, %add3A_326, %sign3A_423 : i32
      %sign3A_425 = arith.extui %sign3A_424 : i1 to i32
      %sign3A_426 = arith.constant 0 : i32
      %sign3A_427 = arith.cmpi slt, %add3A_326, %sign3A_426 : i32
      %sign3A_428 = arith.extui %sign3A_427 : i1 to i32
      %sign3A_429 = arith.subi %sign3A_425, %sign3A_428 : i32
      %sign3A_430 = arith.constant 0 : i32
      %sign3A_431 = arith.cmpi sgt, %jit3A_421, %sign3A_430 : i32
      %sign3A_432 = arith.extui %sign3A_431 : i1 to i32
      %sign3A_433 = arith.constant 0 : i32
      %sign3A_434 = arith.cmpi slt, %jit3A_421, %sign3A_433 : i32
      %sign3A_435 = arith.extui %sign3A_434 : i1 to i32
      %sign3A_436 = arith.subi %sign3A_432, %sign3A_435 : i32
      %ne3A_437 = arith.cmpi ne, %sign3A_429, %sign3A_436 : i32
      %rem3A_438 = arith.remsi %add3A_326, %jit3A_421 : i32
      %ne3A_439 = arith.constant 0 : i32
      %ne3A_440 = arith.cmpi ne, %rem3A_438, %ne3A_439 : i32
      %and3A_441 = arith.andi %ne3A_437, %ne3A_440 : i1
      %sub3A_442 = arith.constant 1 : i32
      %sub3A_443 = arith.subi %div3A_422, %sub3A_442 : i32
      %select_n3A_444 = arith.select %and3A_441, %sub3A_443, %div3A_422 : i32
      %jit3A_445 = arith.constant 128 : i32
      %eq3A_446 = arith.constant 0 : i32
      %eq3A_447 = arith.cmpi eq, %jit3A_445, %eq3A_446 : i32
      %jit3A_448 = arith.constant 1 : i32
      %select_n3A_449 = arith.select %eq3A_447, %jit3A_448, %jit3A_445 : i32
      %rem3A_450 = arith.remsi %add3A_326, %select_n3A_449 : i32
      %ne3A_451 = arith.constant 0 : i32
      %ne3A_452 = arith.cmpi ne, %rem3A_450, %ne3A_451 : i32
      %lt3A_453 = arith.constant 0 : i32
      %lt3A_454 = arith.cmpi slt, %rem3A_450, %lt3A_453 : i32
      %lt3A_455 = arith.constant 0 : i32
      %lt3A_456 = arith.cmpi slt, %select_n3A_449, %lt3A_455 : i32
      %ne3A_457 = arith.xori %lt3A_454, %lt3A_456 : i1
      %and3A_458 = arith.andi %ne3A_457, %ne3A_452 : i1
      %add3A_459 = arith.addi %rem3A_450, %select_n3A_449 : i32
      %select_n3A_460 = arith.select %and3A_458, %add3A_459, %rem3A_450 : i32
      %mul3A_461 = arith.constant 4 : i32
      %mul3A_462 = arith.muli %select_n3A_444, %mul3A_461 : i32
      %add3A_463 = arith.constant 0 : i32
      %add3A_464 = arith.addi %mul3A_462, %add3A_463 : i32
      %mul3A_465 = arith.constant 128 : i32
      %mul3A_466 = arith.muli %add3A_464, %mul3A_465 : i32
      %add3A_467 = arith.addi %mul3A_466, %select_n3A_460 : i32
      %mul3A_468 = arith.constant 1024 : i32
      %mul3A_469 = arith.muli %add3A_467, %mul3A_468 : i32
      %dma_start3A_470 = arith.constant 0 : i32
      %dma_start3A_471 = tpu.memref_slice %arg9[%dma_start3A_470] : memref<16384xf32, #tpu.memory_space<vmem>> -> memref<4096xf32, #tpu.memory_space<vmem>>
      %dma_start3A_472 = tpu.memref_slice %arg4[%mul3A_469] : memref<26214400xf32, #tpu.memory_space<hbm>> -> memref<4096xf32, #tpu.memory_space<hbm>>
      %dma_start3A_473 = tpu.memref_slice %arg4[%mul3A_469] : memref<26214400xf32, #tpu.memory_space<hbm>> -> memref<4096xf32, #tpu.memory_space<hbm>>
      %dma_start3A_474 = arith.constant 0 : i32
      %dma_start3A_475 = tpu.memref_slice %arg9[%dma_start3A_474] : memref<16384xf32, #tpu.memory_space<vmem>> -> memref<4096xf32, #tpu.memory_space<vmem>>
      tpu.enqueue_dma source(%dma_start3A_475 : memref<4096xf32, #tpu.memory_space<vmem>>) target(%dma_start3A_473 : memref<4096xf32, #tpu.memory_space<hbm>>) target_semaphore(%arg13 : memref<!tpu.dma_semaphore, #tpu.memory_space<semaphore_mem>>)
      %mul3A_476 = arith.constant 4 : i32
      %mul3A_477 = arith.muli %select_n3A_444, %mul3A_476 : i32
      %add3A_478 = arith.constant 1 : i32
      %add3A_479 = arith.addi %mul3A_477, %add3A_478 : i32
      %mul3A_480 = arith.constant 128 : i32
      %mul3A_481 = arith.muli %add3A_479, %mul3A_480 : i32
      %add3A_482 = arith.addi %mul3A_481, %select_n3A_460 : i32
      %mul3A_483 = arith.constant 1024 : i32
      %mul3A_484 = arith.muli %add3A_482, %mul3A_483 : i32
      %dma_start3A_485 = arith.constant 4096 : i32
      %dma_start3A_486 = tpu.memref_slice %arg9[%dma_start3A_485] : memref<16384xf32, #tpu.memory_space<vmem>> -> memref<4096xf32, #tpu.memory_space<vmem>>
      %dma_start3A_487 = tpu.memref_slice %arg4[%mul3A_484] : memref<26214400xf32, #tpu.memory_space<hbm>> -> memref<4096xf32, #tpu.memory_space<hbm>>
      %dma_start3A_488 = tpu.memref_slice %arg4[%mul3A_484] : memref<26214400xf32, #tpu.memory_space<hbm>> -> memref<4096xf32, #tpu.memory_space<hbm>>
      %dma_start3A_489 = arith.constant 4096 : i32
      %dma_start3A_490 = tpu.memref_slice %arg9[%dma_start3A_489] : memref<16384xf32, #tpu.memory_space<vmem>> -> memref<4096xf32, #tpu.memory_space<vmem>>
      tpu.enqueue_dma source(%dma_start3A_490 : memref<4096xf32, #tpu.memory_space<vmem>>) target(%dma_start3A_488 : memref<4096xf32, #tpu.memory_space<hbm>>) target_semaphore(%arg13 : memref<!tpu.dma_semaphore, #tpu.memory_space<semaphore_mem>>)
      %mul3A_491 = arith.constant 4 : i32
      %mul3A_492 = arith.muli %select_n3A_444, %mul3A_491 : i32
      %add3A_493 = arith.constant 2 : i32
      %add3A_494 = arith.addi %mul3A_492, %add3A_493 : i32
      %mul3A_495 = arith.constant 128 : i32
      %mul3A_496 = arith.muli %add3A_494, %mul3A_495 : i32
      %add3A_497 = arith.addi %mul3A_496, %select_n3A_460 : i32
      %mul3A_498 = arith.constant 1024 : i32
      %mul3A_499 = arith.muli %add3A_497, %mul3A_498 : i32
      %dma_start3A_500 = arith.constant 8192 : i32
      %dma_start3A_501 = tpu.memref_slice %arg9[%dma_start3A_500] : memref<16384xf32, #tpu.memory_space<vmem>> -> memref<4096xf32, #tpu.memory_space<vmem>>
      %dma_start3A_502 = tpu.memref_slice %arg4[%mul3A_499] : memref<26214400xf32, #tpu.memory_space<hbm>> -> memref<4096xf32, #tpu.memory_space<hbm>>
      %dma_start3A_503 = tpu.memref_slice %arg4[%mul3A_499] : memref<26214400xf32, #tpu.memory_space<hbm>> -> memref<4096xf32, #tpu.memory_space<hbm>>
      %dma_start3A_504 = arith.constant 8192 : i32
      %dma_start3A_505 = tpu.memref_slice %arg9[%dma_start3A_504] : memref<16384xf32, #tpu.memory_space<vmem>> -> memref<4096xf32, #tpu.memory_space<vmem>>
      tpu.enqueue_dma source(%dma_start3A_505 : memref<4096xf32, #tpu.memory_space<vmem>>) target(%dma_start3A_503 : memref<4096xf32, #tpu.memory_space<hbm>>) target_semaphore(%arg13 : memref<!tpu.dma_semaphore, #tpu.memory_space<semaphore_mem>>)
      %mul3A_506 = arith.constant 4 : i32
      %mul3A_507 = arith.muli %select_n3A_444, %mul3A_506 : i32
      %add3A_508 = arith.constant 3 : i32
      %add3A_509 = arith.addi %mul3A_507, %add3A_508 : i32
      %mul3A_510 = arith.constant 128 : i32
      %mul3A_511 = arith.muli %add3A_509, %mul3A_510 : i32
      %add3A_512 = arith.addi %mul3A_511, %select_n3A_460 : i32
      %mul3A_513 = arith.constant 1024 : i32
      %mul3A_514 = arith.muli %add3A_512, %mul3A_513 : i32
      %dma_start3A_515 = arith.constant 12288 : i32
      %dma_start3A_516 = tpu.memref_slice %arg9[%dma_start3A_515] : memref<16384xf32, #tpu.memory_space<vmem>> -> memref<4096xf32, #tpu.memory_space<vmem>>
      %dma_start3A_517 = tpu.memref_slice %arg4[%mul3A_514] : memref<26214400xf32, #tpu.memory_space<hbm>> -> memref<4096xf32, #tpu.memory_space<hbm>>
      %dma_start3A_518 = tpu.memref_slice %arg4[%mul3A_514] : memref<26214400xf32, #tpu.memory_space<hbm>> -> memref<4096xf32, #tpu.memory_space<hbm>>
      %dma_start3A_519 = arith.constant 12288 : i32
      %dma_start3A_520 = tpu.memref_slice %arg9[%dma_start3A_519] : memref<16384xf32, #tpu.memory_space<vmem>> -> memref<4096xf32, #tpu.memory_space<vmem>>
      tpu.enqueue_dma source(%dma_start3A_520 : memref<4096xf32, #tpu.memory_space<vmem>>) target(%dma_start3A_518 : memref<4096xf32, #tpu.memory_space<hbm>>) target_semaphore(%arg13 : memref<!tpu.dma_semaphore, #tpu.memory_space<semaphore_mem>>)
    }
    %scan3A_65 = arith.constant 25 : i32
    %dma_wait3A = arith.constant 0 : i32
    %dma_wait3A_66 = tpu.memref_slice %arg4[%dma_wait3A] : memref<26214400xf32, #tpu.memory_space<hbm>> -> memref<16384xf32, #tpu.memory_space<hbm>>
    %dma_wait3A_67 = arith.constant 0 : i32
    %dma_wait3A_68 = tpu.memref_slice %arg4[%dma_wait3A_67] : memref<26214400xf32, #tpu.memory_space<hbm>> -> memref<16384xf32, #tpu.memory_space<hbm>>
    tpu.wait_dma2 semaphore(%arg12 : memref<!tpu.dma_semaphore, #tpu.memory_space<semaphore_mem>>) src(%arg8 : memref<16384xf32, #tpu.memory_space<vmem>>) dst(%dma_wait3A_68 : memref<16384xf32, #tpu.memory_space<hbm>>)
    %dma_wait3A_69 = arith.constant 0 : i32
    %dma_wait3A_70 = tpu.memref_slice %arg4[%dma_wait3A_69] : memref<26214400xf32, #tpu.memory_space<hbm>> -> memref<16384xf32, #tpu.memory_space<hbm>>
    %dma_wait3A_71 = arith.constant 0 : i32
    %dma_wait3A_72 = tpu.memref_slice %arg4[%dma_wait3A_71] : memref<26214400xf32, #tpu.memory_space<hbm>> -> memref<16384xf32, #tpu.memory_space<hbm>>
    tpu.wait_dma2 semaphore(%arg13 : memref<!tpu.dma_semaphore, #tpu.memory_space<semaphore_mem>>) src(%arg9 : memref<16384xf32, #tpu.memory_space<vmem>>) dst(%dma_wait3A_72 : memref<16384xf32, #tpu.memory_space<hbm>>)
    return
  }
}

</mosaic_0001>

<sc_bundles>
// kernel: kernel.3.cloned.1.call-start
scs
__scs_entry_jumppad:
0x0: {  	(pc) =	sbr.rel $0x88, $3  }
0x1: {  	(tag) =	ssettag $0x0;
	lr =	simm.s32 $0x1  }
0x2: {  	[smem:$0x3F9F] =	sst lr;
	_ =	strace $0xD0000000  }
0x3: {  	_ = 	snop  }
0x4: {  	_ = 	snop  }
0x5: {  	_ = 	snop  }
0x6: {  	_ = 	snop  }
0x7: {  	_ = 	snop  }
__scs_overlays_trampoline_lowered:
0x8: {  	[smem:$0x3FAE] =	sst s0  }
0x9: {  	[smem:$0x3FAF] =	sst s1  }
0xa: {  	[smem:$0x3FB0] =	sst s2  }
0xb: {  	[smem:$0x3FB1] =	sst s3  }
0xc: {  	[smem:$0x3FB2] =	sst s4  }
0xd: {  	[smem:$0x3FB3] =	sst s5  }
0xe: {  	[smem:$0x3FB4] =	sst s6  }
0xf: {  	[smem:$0x3FB5] =	sst s7  }
0x10: {  	[smem:$0x3FB6] =	sst s8  }
0x11: {  	[smem:$0x3FB7] =	sst s9;
	s0 =	simm.s32 @!p0 $0x0  }
0x12: {  	s1 =	sld [smem:$0x3F9D];
	s0 =	simm.s32 @p0 $0x1  }
0x13: {  	[smem:$0x3FB8] =	sst s0;
	s0 =	simm.s32 @!p1 $0x0  }
0x14: {  	s2 =	sld [smem:$0x3F9C];
	s0 =	simm.s32 @p1 $0x1  }
0x15: {  	[smem:$0x3FB9] =	sst s0;
	s0 =	simm.s32 @!p2 $0x0  }
0x16: {  	s3 =	sld [smem:$0x3FDB];
	s0 =	simm.s32 @p2 $0x1  }
0x17: {  	s4 =	simm.s32 $0x1BF5;
	[smem:$0x3FBB] =	sst s0  }
0x18: {  	s0 =	sld [smem:$0x3F9E];
	_ =	swait.ge [sflag:s4], $0x0  }
0x19: {  	s7 =	sld [smem:$0x3F9F]  }
0x1a: {  	s8 =	sadd.s32 $0xFFFFE003, lr  }
0x1b: {  	s9 =	sadd.s32 $0xFFFFFEF7, lr;
	s5 =	simm.s32 $0xFFFFFFFF;
	p2 =	slt.u32 s8, $0xFFFFF086  }
0x1c: {  	p1 =	slt.u32 s9, $0xF7A;
	s5 =	simm.s32 @!p2 $0x0  }
0x1d: {  	s5 =	simm.s32 @p1 $0x1;
	p0 =	seq.s32 s7, s2  }
0x1e: {  	s7 =	smul.u32 @!p0 $0xF7A, s2;
	p2 =	seq.s32 @!p0 s5, $0x0  }
0x1f: {  	s9 =	smul.u32 $0xF7A, s1;
	s8 =	simm.s32 @!p0 $0x1BF5;
	p2 =	por !p2, p0  }
0x20: {  	[sflag:s8] =	ssyncset.s32 @!p0 $0xFFFFF086;
	s6 =	sadd.s32 @!p0 s3, s7;
	s7 =	simm.s32 @!p0 $0x108  }
0x21: {  	s3 =	sadd.s32 s3, s9;
	s6 =	sadd.s32 @!p0 $0x88, s6;
	s7 =	simm.s32 @p2 $0x1082  }
0x22: {  	[simem:s7], [sflag:s8] =	dma.local @!p0 [hbm:s6], $0xF7A  }
0x23: {  	s9 =	sor.u32 $0xD0000000, s2;
	s6 =	simm.s32 $0x108;
	_ =	swait.ge @!p0 [sflag:s8], $0x0  }
0x24: {  	s3 =	sadd.s32 $0x88, s3;
	s6 =	simm.s32 @!p1 $0x1082;
	[sflag:s4] =	ssyncset.s32 $0xFFFFF086  }
0x25: {  	[simem:s6], [sflag:s4] =	dma.local [hbm:s3], $0xF7A  }
0x26: {  	[smem:$0x3F9F] =	sst s1;
	(tag) =	ssettag s2;
	_ =	strace s9  }
0x27: {  	s1 =	sld [smem:$0x3FAF]  }
0x28: {  	s2 =	sld [smem:$0x3FB0]  }
0x29: {  	s4 =	sld [smem:$0x3FB2]  }
0x2a: {  	p0 =	seq.s32 s5, $0x0;
	s5 =	sld [smem:$0x3FB3]  }
0x2b: {  	s6 =	sld [smem:$0x3FB4]  }
0x2c: {  	s7 =	sld [smem:$0x3FB5]  }
0x2d: {  	s3 =	simm.s32 $0x108;
	s8 =	sld [smem:$0x3FB6]  }
0x2e: {  	s3 =	simm.s32 @!p0 $0x1082;
	s9 =	sld [smem:$0x3FB7]  }
0x2f: {  	lr =	sadd.s32 s0, s3;
	s0 =	sld [smem:$0x3FAE]  }
0x30: {  	s3 =	sld [smem:$0x3FB1]  }
0x31: {  	[smem:$0x3FBA] =	sst s10  }
0x32: {  	s10 =	sld [smem:$0x3FB8];
	_ =	sdelay $0x3  }
0x33: {  	p0 =	seq.s32 s10, $0x1;
	s10 =	sld [smem:$0x3FBA];
	_ =	sdelay $0x3  }
0x34: {  	[smem:$0x3FBA] =	sst s10  }
0x35: {  	s10 =	sld [smem:$0x3FB9];
	_ =	sdelay $0x3  }
0x36: {  	p1 =	seq.s32 s10, $0x1;
	s10 =	sld [smem:$0x3FBA];
	_ =	sdelay $0x3  }
0x37: {  	[smem:$0x3FBA] =	sst s10  }
0x38: {  	s10 =	sld [smem:$0x3FBB]  }
0x39: {  	_ = 	snop;
	(pc) =	sbr.ind lr, $3  }
0x3a: {  	_ = 	snop  }
0x3b: {  	_ = 	snop  }
0x3c: {  	p2 =	seq.s32 s10, $0x1;
	s10 =	sld [smem:$0x3FBA]  }
0x3d: {  	_ =	shalt  }
0x3e: {  	_ =	shalt  }
0x3f: {  	_ =	shalt  }
0x40: {  	_ =	shalt  }
0x41: {  	_ =	shalt  }
0x42: {  	_ =	shalt  }
0x43: {  	_ =	shalt  }
0x44: {  	_ =	shalt  }
0x45: {  	_ =	shalt  }
0x46: {  	_ =	shalt  }
0x47: {  	_ =	shalt  }
0x48: {  	_ =	shalt  }
0x49: {  	_ =	shalt  }
0x4a: {  	_ =	shalt  }
0x4b: {  	_ =	shalt  }
0x4c: {  	_ =	shalt  }
0x4d: {  	_ =	shalt  }
0x4e: {  	_ =	shalt  }
0x4f: {  	_ =	shalt  }
0x50: {  	_ =	shalt  }
0x51: {  	_ =	shalt  }
0x52: {  	_ =	shalt  }
0x53: {  	_ =	shalt  }
0x54: {  	_ =	shalt  }
0x55: {  	_ =	shalt  }
0x56: {  	_ =	shalt  }
0x57: {  	_ =	shalt  }
0x58: {  	_ =	shalt  }
0x59: {  	_ =	shalt  }
0x5a: {  	_ =	shalt  }
0x5b: {  	_ =	shalt  }
0x5c: {  	_ =	shalt  }
0x5d: {  	_ =	shalt  }
0x5e: {  	_ =	shalt  }
0x5f: {  	_ =	shalt  }
0x60: {  	_ =	shalt  }
0x61: {  	_ =	shalt  }
0x62: {  	_ =	shalt  }
0x63: {  	_ =	shalt  }
0x64: {  	_ =	shalt  }
0x65: {  	_ =	shalt  }
0x66: {  	_ =	shalt  }
0x67: {  	_ =	shalt  }
0x68: {  	_ =	shalt  }
0x69: {  	_ =	shalt  }
0x6a: {  	_ =	shalt  }
0x6b: {  	_ =	shalt  }
0x6c: {  	_ =	shalt  }
0x6d: {  	_ =	shalt  }
0x6e: {  	_ =	shalt  }
0x6f: {  	_ =	shalt  }
0x70: {  	_ =	shalt  }
0x71: {  	_ =	shalt  }
0x72: {  	_ =	shalt  }
0x73: {  	_ =	shalt  }
0x74: {  	_ =	shalt  }
0x75: {  	_ =	shalt  }
0x76: {  	_ =	shalt  }
0x77: {  	_ =	shalt  }
0x78: {  	_ =	shalt  }
0x79: {  	_ =	shalt  }
0x7a: {  	_ =	shalt  }
0x7b: {  	_ =	shalt  }
0x7c: {  	_ =	shalt  }
0x7d: {  	_ =	shalt  }
0x7e: {  	_ =	shalt  }
0x7f: {  	_ =	shalt  }
0x80: {  	_ =	shalt  }
0x81: {  	_ =	shalt  }
0x82: {  	_ =	shalt  }
0x83: {  	_ =	shalt  }
0x84: {  	_ =	shalt  }
0x85: {  	_ =	shalt  }
0x86: {  	_ =	shalt  }
0x87: {  	_ =	shalt  }
.Lfunc_end0:
.L_simem_size_0:
called_computation_lowered:
.L_overlay_start_0:
0x88: {  	s2 =	sld [smem:$0x3FD9]  }
0x89: {  	s3 =	sld [smem:$0x3FFE];
	_ =	sdelay $0x1  }
0x8a: {  	s1 =	srdreg.scid  }
0x8b: {  	s0 =	sand.u32 $0x1, s1  }
0x8c: {  	s17 =	sshll.u32 s0, $0xA;
	s2 =	sadd.s32 s3, s2  }
0x8d: {  	s2 =	sadd.s32 s2, s17  }
0x8e: {  	[smem:$0x3FC6] =	sst s2  }
0x8f: {  	_ = 	snop  }
0x90: {  	s2 =	sld [smem:$0x3FD0];
	(tm) =	ssettm $0x1  }
0x91: {  	s18 =	sld [smem:$0x3FFB];
	_ =	sdelay $0x3  }
0x92: {  	_ =	strace s18  }
0x93: {  	s3 =	sld [smem:$0x3FFC];
	_ =	sdelay $0x3  }
0x94: {  	_ =	strace s3  }
0x95: {  	s3 =	sld [smem:$0x3FFD];
	_ =	sdelay $0x3  }
0x96: {  	_ =	strace s3  }
0x97: {  	_ =	strace $0x8FFFFFFF  }
0x98: {  	s19 =	sld [smem:$0x3FDB];
	_ =	sdelay $0x1  }
0x99: {  	s4 =	simm.s32 $_scs_section_size  }
0x9a: {  	s5 =	simm.s32 $_size__tile_overlayer_lowered;
	s6 =	simm.s32 $_tile_overlayer_lowered  }
0x9b: {  	s22 =	simm.s32 $0x1BFF;
	s21 =	sshll.u32 s6, $0x1;
	s3 =	sadd.s32 s4, s19  }
0x9c: {  	s7 =	simm.s32 $0x0;
	s20 =	sshll.u32 s5, $0x1;
	s5 =	sadd.s32 s21, s3  }
0x9d: {  	[timem:s7], [sflag:s22] =	dma.local [hbm:s5], s20  }
0x9e: {  	_ =	swait.ge [sflag:s22], s20  }
0x9f: {  	s4 =	ssub.s32 $0x0, s20;
	[sflag:s22] =	ssyncset.done $0x0  }
0xa0: {  	[sflag:s22] =	ssyncadd.s32 s4;
	_ =	sdelay $0x1  }
0xa1: {  	s23 =	simm.s32 $0x1B8B  }
0xa2: {  	_ =	swait.ge [sflag:s23], $0x1  }
0xa3: {  	[sflag:s23] =	ssyncset.done $0x0  }
0xa4: {  	s25 =	simm.s32 $0x1B8E;
	s24 =	sld [smem:$0x3FFE];
	[sflag:s23] =	ssyncadd.s32 $0xFFFFFFFF  }
0xa5: {  	s26 =	simm.s32 $execute0_lowered;
	[smem:$0x3FD2] =	sst s25  }
0xa6: {  	s5 =	sshll.u32 s26, $0x1;
	_ =	strace $0x80000046;
	[dreg:$0x1] =	wrdreg $0xFFFFFFFF  }
0xa7: {  	s28 =	simm.s32 $_size_execute0_lowered;
	s3 =	sadd.s32 s3, s5;
	[dreg:$0x0] =	wrdreg $0x0  }
0xa8: {  	s5 =	sshll.u32 s28, $0x1;
	[dreg:$0x2] =	wrdreg s3  }
0xa9: {  	[dreg:$0x3] =	wrdreg s5  }
0xaa: {  	[dreg:$0x4] =	wrdreg $0xC0  }
0xab: {  	_ =	task [dreg:s7], $0x5FFFF  }
0xac: {  	[dreg:$0x1] =	wrdreg $0xFFFFFFFF  }
0xad: {  	[dreg:$0x0] =	wrdreg $0x60  }
0xae: {  	[dreg:$0x2] =	wrdreg s24  }
0xaf: {  	[dreg:$0x3] =	wrdreg s2  }
0xb0: {  	[dreg:$0x4] =	wrdreg $0x9  }
0xb1: {  	_ =	task.clear_ibuf [dreg:s7], $0x5FFFF;
	_ =	strace $0x90000046  }
0xb2: {  	s29 =	simm.s32 $0x9;
	_ =	strace $0x80000048  }
0xb3: {  	_ =	swait.ge [sflag:s29], $0x1  }
0xb4: {  	[sflag:s29] =	ssyncadd.s32 $0xFFFFFFFF  }
0xb5: {  	_ =	strace $0x90000048  }
0xb6: {  	_ =	sfence  }
0xb7: {  	s30 =	sld [smem:$0x0];
	_ =	sdelay $0x2  }
0xb8: {  	s31 =	sshll.u32 s1, $0xD;
	s1 =	sshrl.u32 s1, $0x2  }
0xb9: {  	s3 =	sand.u32 $0x4000, s31;
	s1 =	sadd.s32 s1, s30  }
0xba: {  	s0 =	sor.u32 s3, s0;
	s1 =	sshll.u32 s1, $0x11  }
0xbb: {  	s0 =	sor.u32 s1, s0  }
0xbc: {  	s0 =	sadd.s32 $0x8F2B, s0  }
0xbd: {  	[sflag:s0] =	ssyncadd.remote.s32 $0x1  }
0xbe: {  	_ =	sfence.sel $0xFFFF  }
0xbf: {  	[dreg:$0x0] =	wrdreg $0xFFFFFFFF;
	(pc) =	sbr.abs _section_cstart, $3  }
0xc0: {  	[dreg:$0x1] =	wrdreg $0xFFFFFFFF  }
0xc1: {  	_ =	task.clear_ibuf [dreg:s7], $0x2FFFF;
	_ =	strace $0x9FFFFFFF  }
0xc2: {  	(tm) =	ssettm $0x7FFFFFFF  }
0xc3: {  	_ =	shalt  }
tec
execute0_lowered:
.L_overlay_start_1:
0x0: {  	(tag) =	ssettag $0x1  }
0x1: {  	v0 =	vimm.s32 $0x1380;
	vm0 =	vcmask $0x300;
	v1 =	vimm.s32 $0x3380  }
0x2: {  	s0 =	srdreg.scid;
	vm1 =	vcmask $0x704;
	v0 =	vsel vm0, $0x0, v0;
	v1 =	vsel vm0, $0x2000, v1  }
0x3: {  	s2 =	stileid.u32;
	s1 =	rddreg [dreg:$0x0];
	vm15 =	vcmask $0xB08;
	v0 =	vsel vm1, $0x80, v0;
	v1 =	vsel vm1, $0x2080, v1  }
0x4: {  	vm4 =	vcmask $0xF0C;
	s12 =	simm.s32 $0x80;
	s19 =	simm.s32 $0xA400;
	s20 =	simm.s32 $0xB400;
	v0 =	vsel vm15, $0x100, v0;
	v1 =	vsel vm15, $0x2100, v1  }
0x5: {  	vm5 =	vcmask $0x1310;
	s21 =	simm.s32 $0xC400;
	s22 =	simm.s32 $0xD400;
	s23 =	simm.s32 $0x1;
	v0 =	vsel vm4, $0x180, v0;
	v1 =	vsel vm4, $0x2180, v1  }
0x6: {  	vm6 =	vcmask $0x1714;
	s24 =	simm.s32 $0xE400;
	s25 =	simm.s32 $0xF400;
	s28 =	simm.s32 $0x11400;
	v0 =	vsel vm5, $0x200, v0;
	v1 =	vsel vm5, $0x2200, v1  }
0x7: {  	vm7 =	vcmask $0x1B18;
	s29 =	simm.s32 $0x2;
	s30 =	simm.s32 $0x12400;
	s31 =	simm.s32 $0x13400;
	v0 =	vsel vm6, $0x280, v0;
	v1 =	vsel vm6, $0x2280, v1  }
0x8: {  	vm8 =	vcmask $0x1F1C;
	s13 =	simm.s32 $0x3;
	s14 =	simm.s32 $0x4;
	s15 =	simm.s32 $0x0;
	v0 =	vsel vm7, $0x300, v0;
	v1 =	vsel vm7, $0x2300, v1  }
0x9: {  	vm9 =	vcmask $0x2320;
	s0 =	sand.u32 $0x1, s0;
	s3 =	sshll.u32 s2, $0x1;
	s2 =	rddreg [dreg:$0x1];
	v0 =	vsel vm8, $0x380, v0;
	v1 =	vsel vm8, $0x2380, v1  }
0xa: {  	vm10 =	vcmask $0x2724;
	s5 =	sor.u32 s0, s3;
	s3 =	simm.s32 $0x0;
	s0 =	ssub.s32 $0x2, s0;
	v0 =	vsel vm9, $0x1000, v0;
	v1 =	vsel vm9, $0x3000, v1  }
0xb: {  	vm11 =	vcmask $0x2B28;
	s8 =	sadd.s32 $0x8000, s2;
	s9 =	sadd.s32 $0xC000, s2;
	s4 =	smul.u32 $0xC80, s5;
	v0 =	vsel vm10, $0x1080, v0;
	v1 =	vsel vm10, $0x3080, v1  }
0xc: {  	vm12 =	vcmask $0x2F2C;
	[smem:$0x7FF] =	sst s3;
	s7 =	sshrl.u32 s0, $0x1;
	s5 =	smul.u32 $0xC8, s5;
	v0 =	vsel vm11, $0x1100, v0;
	v1 =	vsel vm11, $0x3100, v1  }
0xd: {  	vm13 =	vcmask $0x3330;
	_ =	strace $0x80000047;
	s0 =	ssub.s32 s0, s7;
	s7 =	sadd.s32 $0x4000, s2;
	v0 =	vsel vm12, $0x1180, v0;
	v1 =	vsel vm12, $0x3180, v1  }
0xe: {  	vm14 =	vcmask $0x3734;
	s6 =	sadd.s32 s4, s1;
	s4 =	sadd.s32 $0xF42A00, s1;
	s0 =	smax.u32 s0, $0x1;
	v0 =	vsel vm13, $0x1200, v0;
	v1 =	vsel vm13, $0x3200, v1  }
0xf: {  	vm15 =	vcmask $0x3B38;
	s1 =	simm.s32 $0x14400;
	s26 =	sadd.s32 $0x600, s6;
	[dreg:$0x4] =	wrdreg s0;
	v0 =	vsel vm14, $0x1280, v0;
	v1 =	vsel vm14, $0x3280, v1  }
0x10: {  	s0 =	simm.s32 $0x15400;
	[dreg:$0x3] =	wrdreg s26;
	s26 =	simm.s32 $0x10400;
	v0 =	vsel vm15, $0x1300, v0;
	v1 =	vsel vm15, $0x3300, v1  }
.LBB2_1:
0x11: {  	s6 =	rddreg [dreg:$0x3];
	s18 =	simm.s32 $0x5  }
0x12: {  	[tilespmem:s3], [sflag:$0x5] =	stream.linear.gather [hbm4b:s6+s3], $0x6400, $0x38;
	[tilespmem:$0x16400] =	vst v63  }
0x13: {  	_ =	swait.ge [sflag:s18], $0x6400  }
0x14: {  	[sflag:s18] =	ssyncset.done $0x0  }
0x15: {  	s10 =	simm.s32 $0x6400;
	[sflag:s18] =	ssyncadd.s32 $0xFFFF9C00  }
0x16: {  	[tilespmem:s10], [sflag:$0x1] =	stream.indirect.gather [hbm4b:s4+s12], $0x20, s3, s12, $0xb8;
	[tilespmem:$0x16400] =	vst v63  }
0x17: {  	s11 =	simm.s32 $0x7400  }
0x18: {  	[tilespmem:s11], [sflag:$0x1] =	stream.indirect.gather [hbm4b:s4+s12], $0x20, s12, s12, $0xb8;
	[tilespmem:$0x16400] =	vst v63  }
0x19: {  	s16 =	simm.s32 $0x100;
	s10 =	simm.s32 $0x8400  }
0x1a: {  	[tilespmem:s10], [sflag:$0x1] =	stream.indirect.gather [hbm4b:s4+s12], $0x20, s16, s12, $0xb8;
	[tilespmem:$0x16400] =	vst v63  }
0x1b: {  	s17 =	simm.s32 $0x180;
	s18 =	simm.s32 $0x9400;
	s16 =	simm.s32 $0x0  }
0x1c: {  	[tilespmem:s18], [sflag:$0x1] =	stream.indirect.gather [hbm4b:s4+s12], $0x20, s17, s12, $0xb8;
	[tilespmem:$0x16400] =	vst v63  }
.LBB2_2:
0x1d: {  	s6 =	sshll.u32 s16, $0x3  }
0x1e: {  	s17 =	sor.u32 $0x4, s6  }
0x1f: {  	s18 =	sshll.u32 s16, $0xA;
	s10 =	sshll.u32 s17, $0x7  }
0x20: {  	s18 =	sand.u32 $0x3FFFFC00, s18;
	s10 =	sand.u32 $0x3FFFFE00, s10  }
0x21: {  	[tilespmem:s19], [sflag:$0x2] =	stream.indirect.gather [hbm4b:s4+s12], $0x20, s10, s12, $0xb8;
	[tilespmem:$0x16400] =	vst v63  }
0x22: {  	s10 =	sor.u32 $0x280, s18  }
0x23: {  	[tilespmem:s20], [sflag:$0x2] =	stream.indirect.gather [hbm4b:s4+s12], $0x20, s10, s12, $0xb8;
	[tilespmem:$0x16400] =	vst v63  }
0x24: {  	s11 =	sor.u32 $0x300, s18  }
0x25: {  	[tilespmem:s21], [sflag:$0x2] =	stream.indirect.gather [hbm4b:s4+s12], $0x20, s11, s12, $0xb8;
	[tilespmem:$0x16400] =	vst v63  }
0x26: {  	s11 =	sor.u32 $0x380, s18  }
0x27: {  	[tilespmem:s22], [sflag:$0x2] =	stream.indirect.gather [hbm4b:s4+s12], $0x20, s11, s12, $0xb8;
	[tilespmem:$0x16400] =	vst v63  }
0x28: {  	_ =	swait.ge [sflag:s23], $0x1000  }
0x29: {  	[sflag:s23] =	ssyncset.done $0x0  }
0x2a: {  	[sflag:s23] =	ssyncadd.s32 $0xFFFFF000  }
0x2b: {  	_ =	swait.ge [sflag:s23], $0x1000  }
0x2c: {  	[sflag:s23] =	ssyncset.done $0x0  }
0x2d: {  	[sflag:s23] =	ssyncadd.s32 $0xFFFFF000  }
0x2e: {  	_ =	swait.ge [sflag:s23], $0x1000  }
0x2f: {  	[sflag:s23] =	ssyncset.done $0x0  }
0x30: {  	[sflag:s23] =	ssyncadd.s32 $0xFFFFF000  }
0x31: {  	_ =	swait.ge [sflag:s23], $0x1000  }
0x32: {  	p0 =	seq.s32 s16, $0x0;
	[sflag:s23] =	ssyncset.done $0x0  }
0x33: {  	s10 =	simm.s32 @!p0 $0x3;
	[sflag:s23] =	ssyncadd.s32 $0xFFFFF000  }
0x34: {  	_ =	swait.ge @!p0 [sflag:s10], $0x4000  }
0x35: {  	[sflag:s10] =	ssyncset.done @!p0 $0x0  }
0x36: {  	s11 =	simm.s32 $0x0;
	[sflag:s10] =	ssyncadd.s32 @!p0 $0xFFFFC000;
	s10 =	simm.s32 $0x6410  }
0x37: {  	v3 =	vor.u32 s11, v0;
	v2 =	vld [tilespmem:s10+$0xFFFFFFF0]  }
0x38: {  	s6 =	sadd.s32 s5, s6;
	v5 =	vor.u32 s11, v1;
	s11 =	simm.s32 $0x1;
	v4 =	vld [tilespmem:s10+$0x0]  }
.LBB2_3:
0x39: {  	p1 =	sne.s32 s11, $0x7F;
	_ =	sdelay $0x1  }
.Ltmp0:
0x3a: {  	(pc) =	sbr.rel @p1 .LBB2_3-.Ltmp0, $4  }
0x3b: {  	[tilespmem:v3+s24+$0x0] =	vst.idx.msk $0xffff, v2  }
0x3c: {  	s10 =	sadd.s32 $0x20, s10;
	[tilespmem:v5+s24+$0x0] =	vst.idx.msk $0xffff, v4  }
0x3d: {  	v3 =	vor.u32 s11, v0;
	v2 =	vld [tilespmem:s10+$0xFFFFFFF0]  }
0x3e: {  	v5 =	vor.u32 s11, v1;
	s11 =	sadd.s32 $0x1, s11;
	v4 =	vld [tilespmem:s10+$0x0]  }
0x3f: {  	_ =	sdelay $0x3  }
0x40: {  	[tilespmem:v3+s24+$0x0] =	vst.idx.msk $0xffff, v2  }
0x41: {  	s10 =	simm.s32 $0x7410;
	s11 =	simm.s32 $0x400;
	[tilespmem:v5+s24+$0x0] =	vst.idx.msk $0xffff, v4  }
0x42: {  	v3 =	vor.u32 s11, v0;
	v2 =	vld [tilespmem:s10+$0xFFFFFFF0]  }
0x43: {  	v5 =	vor.u32 s11, v1;
	s11 =	simm.s32 $0x401;
	v4 =	vld [tilespmem:s10+$0x0]  }
.LBB2_5:
0x44: {  	p1 =	sne.s32 s11, $0x47F;
	_ =	sdelay $0x1  }
.Ltmp1:
0x45: {  	(pc) =	sbr.rel @p1 .LBB2_5-.Ltmp1, $4  }
0x46: {  	[tilespmem:v3+s24+$0x0] =	vst.idx.msk $0xffff, v2  }
0x47: {  	s10 =	sadd.s32 $0x20, s10;
	[tilespmem:v5+s24+$0x0] =	vst.idx.msk $0xffff, v4  }
0x48: {  	v3 =	vor.u32 s11, v0;
	v2 =	vld [tilespmem:s10+$0xFFFFFFF0]  }
0x49: {  	v5 =	vor.u32 s11, v1;
	s11 =	sadd.s32 $0x1, s11;
	v4 =	vld [tilespmem:s10+$0x0]  }
0x4a: {  	_ =	sdelay $0x3  }
0x4b: {  	[tilespmem:v3+s24+$0x0] =	vst.idx.msk $0xffff, v2  }
0x4c: {  	s10 =	simm.s32 $0x8410;
	s11 =	simm.s32 $0x800;
	[tilespmem:v5+s24+$0x0] =	vst.idx.msk $0xffff, v4  }
0x4d: {  	v3 =	vor.u32 s11, v0;
	v2 =	vld [tilespmem:s10+$0xFFFFFFF0]  }
0x4e: {  	v5 =	vor.u32 s11, v1;
	s11 =	simm.s32 $0x801;
	v4 =	vld [tilespmem:s10+$0x0]  }
.LBB2_7:
0x4f: {  	p1 =	sne.s32 s11, $0x87F;
	_ =	sdelay $0x1  }
.Ltmp2:
0x50: {  	(pc) =	sbr.rel @p1 .LBB2_7-.Ltmp2, $4  }
0x51: {  	[tilespmem:v3+s24+$0x0] =	vst.idx.msk $0xffff, v2  }
0x52: {  	s10 =	sadd.s32 $0x20, s10;
	[tilespmem:v5+s24+$0x0] =	vst.idx.msk $0xffff, v4  }
0x53: {  	v3 =	vor.u32 s11, v0;
	v2 =	vld [tilespmem:s10+$0xFFFFFFF0]  }
0x54: {  	v5 =	vor.u32 s11, v1;
	s11 =	sadd.s32 $0x1, s11;
	v4 =	vld [tilespmem:s10+$0x0]  }
0x55: {  	_ =	sdelay $0x3  }
0x56: {  	[tilespmem:v3+s24+$0x0] =	vst.idx.msk $0xffff, v2  }
0x57: {  	s10 =	simm.s32 $0x9410;
	s11 =	simm.s32 $0xC00;
	[tilespmem:v5+s24+$0x0] =	vst.idx.msk $0xffff, v4  }
0x58: {  	v4 =	vor.u32 s11, v0;
	v2 =	vld [tilespmem:s10+$0xFFFFFFF0]  }
0x59: {  	v5 =	vor.u32 s11, v1;
	s11 =	simm.s32 $0xC01;
	v3 =	vld [tilespmem:s10+$0x0]  }
.LBB2_9:
0x5a: {  	p1 =	sne.s32 s11, $0xC7F;
	_ =	sdelay $0x1  }
.Ltmp3:
0x5b: {  	(pc) =	sbr.rel @p1 .LBB2_9-.Ltmp3, $4  }
0x5c: {  	[tilespmem:v4+s24+$0x0] =	vst.idx.msk $0xffff, v2  }
0x5d: {  	s10 =	sadd.s32 $0x20, s10;
	[tilespmem:v5+s24+$0x0] =	vst.idx.msk $0xffff, v3  }
0x5e: {  	v4 =	vor.u32 s11, v0;
	v2 =	vld [tilespmem:s10+$0xFFFFFFF0]  }
0x5f: {  	v5 =	vor.u32 s11, v1;
	s11 =	sadd.s32 $0x1, s11;
	v3 =	vld [tilespmem:s10+$0x0]  }
0x60: {  	_ =	sdelay $0x1  }
0x61: {  	s10 =	sshll.u32 s6, $0x9;
	s11 =	sshll.u32 s6, $0x7  }
0x62: {  	s10 =	sand.u32 $0x7FFF0000, s10;
	s6 =	sand.u32 $0x3C00, s11  }
0x63: {  	s6 =	sor.u32 s6, s10;
	[tilespmem:v4+s24+$0x0] =	vst.idx.msk $0xffff, v2  }
0x64: {  	s10 =	sadd.s32 s2, s6;
	[tilespmem:v5+s24+$0x0] =	vst.idx.msk $0xffff, v3  }
0x65: {  	[hbm4b:s10+s3] =	stream.linear.scatter [tilespmem:s24], [sflag:$0x3], $0x1000, $0x38;
	[tilespmem:$0x16400] =	vst v63  }
0x66: {  	s11 =	sadd.s32 s6, s7  }
0x67: {  	[hbm4b:s11+s3] =	stream.linear.scatter [tilespmem:s25], [sflag:$0x3], $0x1000, $0x38;
	[tilespmem:$0x16400] =	vst v63  }
0x68: {  	s11 =	sadd.s32 s6, s8  }
0x69: {  	[hbm4b:s11+s3] =	stream.linear.scatter [tilespmem:s26], [sflag:$0x3], $0x1000, $0x38;
	[tilespmem:$0x16400] =	vst v63  }
0x6a: {  	p1 =	seq.s32 s16, $0x18;
	s6 =	sadd.s32 s6, s9  }
0x6b: {  	[hbm4b:s6+s3] =	stream.linear.scatter [tilespmem:s28], [sflag:$0x3], $0x1000, $0x38;
	[tilespmem:$0x16400] =	vst v63  }
0x6c: {  	s10 =	simm.s32 @!p1 $0x80;
	s11 =	simm.s32 @!p1 $0x6400;
	s6 =	sadd.s32 @!p1 $0x400, s18  }
0x6d: {  	[tilespmem:s11], [sflag:$0x1] =	stream.indirect.gather @!p1 [hbm4b:s4+s10], $0x20, s6, s10, $0xb8;
	[tilespmem:$0x16400] =	vst v63  }
0x6e: {  	s6 =	sadd.s32 @!p1 $0x480, s18;
	s11 =	simm.s32 @!p1 $0x7400  }
0x6f: {  	[tilespmem:s11], [sflag:$0x1] =	stream.indirect.gather @!p1 [hbm4b:s4+s10], $0x20, s6, s10, $0xb8;
	[tilespmem:$0x16400] =	vst v63  }
0x70: {  	s6 =	sadd.s32 @!p1 $0x500, s18;
	s11 =	simm.s32 @!p1 $0x8400  }
0x71: {  	[tilespmem:s11], [sflag:$0x1] =	stream.indirect.gather @!p1 [hbm4b:s4+s10], $0x20, s6, s10, $0xb8;
	[tilespmem:$0x16400] =	vst v63  }
0x72: {  	s6 =	sadd.s32 @!p1 $0x580, s18;
	s11 =	simm.s32 @!p1 $0x9400  }
0x73: {  	[tilespmem:s11], [sflag:$0x1] =	stream.indirect.gather @!p1 [hbm4b:s4+s10], $0x20, s6, s10, $0xb8;
	[tilespmem:$0x16400] =	vst v63  }
0x74: {  	_ =	swait.ge [sflag:s29], $0x1000  }
0x75: {  	[sflag:s29] =	ssyncset.done $0x0  }
0x76: {  	[sflag:s29] =	ssyncadd.s32 $0xFFFFF000  }
0x77: {  	_ =	swait.ge [sflag:s29], $0x1000  }
0x78: {  	[sflag:s29] =	ssyncset.done $0x0  }
0x79: {  	[sflag:s29] =	ssyncadd.s32 $0xFFFFF000  }
0x7a: {  	_ =	swait.ge [sflag:s29], $0x1000  }
0x7b: {  	[sflag:s29] =	ssyncset.done $0x0  }
0x7c: {  	[sflag:s29] =	ssyncadd.s32 $0xFFFFF000  }
0x7d: {  	_ =	swait.ge [sflag:s29], $0x1000  }
0x7e: {  	[sflag:s29] =	ssyncset.done $0x0  }
0x7f: {  	s6 =	simm.s32 @!p0 $0x4;
	[sflag:s29] =	ssyncadd.s32 $0xFFFFF000  }
0x80: {  	_ =	swait.ge @!p0 [sflag:s6], $0x4000  }
0x81: {  	[sflag:s6] =	ssyncset.done @!p0 $0x0  }
0x82: {  	s18 =	simm.s32 $0x0;
	s10 =	simm.s32 $0xA410;
	[sflag:s6] =	ssyncadd.s32 @!p0 $0xFFFFC000  }
0x83: {  	v3 =	vor.u32 s18, v0;
	v2 =	vld [tilespmem:s10+$0xFFFFFFF0]  }
0x84: {  	v5 =	vor.u32 s18, v1;
	s11 =	simm.s32 $0x1;
	s6 =	sadd.s32 s5, s17;
	v4 =	vld [tilespmem:s10+$0x0]  }
.LBB2_11:
0x85: {  	p0 =	sne.s32 s11, $0x7F;
	_ =	sdelay $0x1  }
.Ltmp4:
0x86: {  	(pc) =	sbr.rel @p0 .LBB2_11-.Ltmp4, $4  }
0x87: {  	[tilespmem:v3+s30+$0x0] =	vst.idx.msk $0xffff, v2  }
0x88: {  	s10 =	sadd.s32 $0x20, s10;
	[tilespmem:v5+s30+$0x0] =	vst.idx.msk $0xffff, v4  }
0x89: {  	v3 =	vor.u32 s11, v0;
	v2 =	vld [tilespmem:s10+$0xFFFFFFF0]  }
0x8a: {  	v5 =	vor.u32 s11, v1;
	s11 =	sadd.s32 $0x1, s11;
	v4 =	vld [tilespmem:s10+$0x0]  }
0x8b: {  	_ =	sdelay $0x3  }
0x8c: {  	[tilespmem:v3+s30+$0x0] =	vst.idx.msk $0xffff, v2  }
0x8d: {  	s10 =	simm.s32 $0xB410;
	s11 =	simm.s32 $0x400;
	[tilespmem:v5+s30+$0x0] =	vst.idx.msk $0xffff, v4  }
0x8e: {  	v3 =	vor.u32 s11, v0;
	v2 =	vld [tilespmem:s10+$0xFFFFFFF0]  }
0x8f: {  	v5 =	vor.u32 s11, v1;
	s11 =	simm.s32 $0x401;
	v4 =	vld [tilespmem:s10+$0x0]  }
.LBB2_13:
0x90: {  	p0 =	sne.s32 s11, $0x47F;
	_ =	sdelay $0x1  }
.Ltmp5:
0x91: {  	(pc) =	sbr.rel @p0 .LBB2_13-.Ltmp5, $4  }
0x92: {  	[tilespmem:v3+s30+$0x0] =	vst.idx.msk $0xffff, v2  }
0x93: {  	s10 =	sadd.s32 $0x20, s10;
	[tilespmem:v5+s30+$0x0] =	vst.idx.msk $0xffff, v4  }
0x94: {  	v3 =	vor.u32 s11, v0;
	v2 =	vld [tilespmem:s10+$0xFFFFFFF0]  }
0x95: {  	v5 =	vor.u32 s11, v1;
	s11 =	sadd.s32 $0x1, s11;
	v4 =	vld [tilespmem:s10+$0x0]  }
0x96: {  	_ =	sdelay $0x3  }
0x97: {  	[tilespmem:v3+s30+$0x0] =	vst.idx.msk $0xffff, v2  }
0x98: {  	s10 =	simm.s32 $0xC410;
	s11 =	simm.s32 $0x800;
	[tilespmem:v5+s30+$0x0] =	vst.idx.msk $0xffff, v4  }
0x99: {  	v3 =	vor.u32 s11, v0;
	v2 =	vld [tilespmem:s10+$0xFFFFFFF0]  }
0x9a: {  	v5 =	vor.u32 s11, v1;
	s11 =	simm.s32 $0x801;
	v4 =	vld [tilespmem:s10+$0x0]  }
.LBB2_15:
0x9b: {  	p0 =	sne.s32 s11, $0x87F;
	_ =	sdelay $0x1  }
.Ltmp6:
0x9c: {  	(pc) =	sbr.rel @p0 .LBB2_15-.Ltmp6, $4  }
0x9d: {  	[tilespmem:v3+s30+$0x0] =	vst.idx.msk $0xffff, v2  }
0x9e: {  	s10 =	sadd.s32 $0x20, s10;
	[tilespmem:v5+s30+$0x0] =	vst.idx.msk $0xffff, v4  }
0x9f: {  	v3 =	vor.u32 s11, v0;
	v2 =	vld [tilespmem:s10+$0xFFFFFFF0]  }
0xa0: {  	v5 =	vor.u32 s11, v1;
	s11 =	sadd.s32 $0x1, s11;
	v4 =	vld [tilespmem:s10+$0x0]  }
0xa1: {  	_ =	sdelay $0x3  }
0xa2: {  	[tilespmem:v3+s30+$0x0] =	vst.idx.msk $0xffff, v2  }
0xa3: {  	s10 =	simm.s32 $0xD410;
	s11 =	simm.s32 $0xC00;
	[tilespmem:v5+s30+$0x0] =	vst.idx.msk $0xffff, v4  }
0xa4: {  	v4 =	vor.u32 s11, v0;
	v2 =	vld [tilespmem:s10+$0xFFFFFFF0]  }
0xa5: {  	v5 =	vor.u32 s11, v1;
	s11 =	simm.s32 $0xC01;
	v3 =	vld [tilespmem:s10+$0x0]  }
.LBB2_17:
0xa6: {  	p0 =	sne.s32 s11, $0xC7F;
	_ =	sdelay $0x1  }
.Ltmp7:
0xa7: {  	(pc) =	sbr.rel @p0 .LBB2_17-.Ltmp7, $4  }
0xa8: {  	[tilespmem:v4+s30+$0x0] =	vst.idx.msk $0xffff, v2  }
0xa9: {  	s10 =	sadd.s32 $0x20, s10;
	[tilespmem:v5+s30+$0x0] =	vst.idx.msk $0xffff, v3  }
0xaa: {  	v4 =	vor.u32 s11, v0;
	v2 =	vld [tilespmem:s10+$0xFFFFFFF0]  }
0xab: {  	v5 =	vor.u32 s11, v1;
	s11 =	sadd.s32 $0x1, s11;
	v3 =	vld [tilespmem:s10+$0x0]  }
0xac: {  	_ =	sdelay $0x1  }
0xad: {  	s10 =	sshll.u32 s6, $0x9;
	s11 =	sshll.u32 s6, $0x7  }
0xae: {  	s10 =	sand.u32 $0x7FFF0000, s10;
	s6 =	sand.u32 $0x3E00, s11  }
0xaf: {  	s6 =	sor.u32 s6, s10;
	[tilespmem:v4+s30+$0x0] =	vst.idx.msk $0xffff, v2  }
0xb0: {  	s16 =	sadd.s32 $0x1, s16;
	s10 =	sadd.s32 s2, s6;
	[tilespmem:v5+s30+$0x0] =	vst.idx.msk $0xffff, v3  }
0xb1: {  	[hbm4b:s10+s3] =	stream.linear.scatter [tilespmem:s30], [sflag:$0x4], $0x1000, $0x38;
	[tilespmem:$0x16400] =	vst v63  }
0xb2: {  	p0 =	sne.s32 s16, $0x19;
	s17 =	sadd.s32 s6, s7  }
0xb3: {  	[hbm4b:s17+s3] =	stream.linear.scatter [tilespmem:s31], [sflag:$0x4], $0x1000, $0x38;
	[tilespmem:$0x16400] =	vst v63  }
.Ltmp8:
0xb4: {  	_ = 	snop;
	(pc) =	sbr.rel @p0 .LBB2_2-.Ltmp8, $4  }
0xb5: {  	s18 =	sadd.s32 s6, s8  }
0xb6: {  	[hbm4b:s18+s3] =	stream.linear.scatter [tilespmem:s1], [sflag:$0x4], $0x1000, $0x38;
	[tilespmem:$0x16400] =	vst v63  }
0xb7: {  	s6 =	sadd.s32 s6, s9  }
0xb8: {  	[hbm4b:s6+s3] =	stream.linear.scatter [tilespmem:s0], [sflag:$0x4], $0x1000, $0x38;
	[tilespmem:$0x16400] =	vst v63  }
0xb9: {  	_ =	swait.ge [sflag:s13], $0x4000  }
0xba: {  	[sflag:s13] =	ssyncset.done $0x0  }
0xbb: {  	[sflag:s13] =	ssyncadd.s32 $0xFFFFC000  }
0xbc: {  	_ =	swait.ge [sflag:s14], $0x4000  }
0xbd: {  	s15 =	sadd.s32 $0x1, s15;
	s6 =	rddreg [dreg:$0x4]  }
0xbe: {  	p0 =	sne.s32 s15, s6  }
.Ltmp9:
0xbf: {  	_ = 	snop;
	(pc) =	sbr.rel @p0 .LBB2_1-.Ltmp9, $3  }
0xc0: {  	_ =	sdelay $0x1  }
0xc1: {  	[sflag:s14] =	ssyncset.done $0x0  }
0xc2: {  	[sflag:s14] =	ssyncadd.s32 $0xFFFFC000  }
0xc3: {  	_ =	sfence.sel $0x180000  }
0xc4: {  	[bflag:$0x0] =	sbarrier.arrive $0xFFFF  }
0xc5: {  	_ =	strace $0x90000047  }
0xc6: {  	s0 =	stileid.u32;
	[bflag:$0x2] =	sbarrier.arrive $0xFFFF  }
0xc7: {  	p0 =	sne.s32 s0, $0x0;
	s0 =	rddreg [dreg:$0x2]  }
0xc8: {  	s0 =	sadd.s32 @!p0 $0x100000, s0  }
0xc9: {  	[sflag:s0] =	ssyncadd.tile.s32 @!p0 $0x1;
	_ =	shalt  }
.Lfunc_end2:
_tile_overlayer_lowered:
.L_overlay_start_2:
0xca: {  	(tag) =	ssettag $0x2  }
0xcb: {  	s0 =	rddreg [dreg:$0x0];
	s2 =	stileid.u32  }
0xcc: {  	s1 =	rddreg [dreg:$0x1];
	p0 =	sne.s32 s2, $0x0  }
0xcd: {  	s3 =	rddreg [dreg:$0x2];
	[bflag:$0x3] =	sbarrier.arrive $0xFFFF;
	s2 =	simm.s32 @!p0 $0x1C05  }
0xce: {  	[timem:s3], [sflag:s2] =	dma.local @!p0 [hbm:s0], s1  }
0xcf: {  	s0 =	simm.s32 @!p0 $0x5  }
0xd0: {  	_ =	swait.ge @!p0 [sflag:s0], s1  }
0xd1: {  	s1 =	ssub.s32 @!p0 $0x0, s1;
	[sflag:s0] =	ssyncset.done @!p0 $0x0  }
0xd2: {  	[sflag:s0] =	ssyncadd.s32 @!p0 s1  }
0xd3: {  	[bflag:$0x3] =	sbarrier.arrive $0xFFFF  }
0xd4: {  	_ =	shalt  }

</sc_bundles>
